<compile_context>
chip_gen: v7x
topology: tpu7x:2x2x1
jax: 0.10.2.dev20260603
libtpu: 0.0.44.dev20260713+nightly
codegen_flags: <defaults>
</compile_context>

<pallas_src>
import functools

import jax
import jax.numpy as jnp
from jax import lax
from jax.experimental import pallas as pl
from jax.experimental.pallas import tpu as pltpu
from jax.experimental.pallas import tpu_sc as plsc

N = 100000
E = 3200000
B_T = 4
N_ATOM_TYPES = 2
R = 10
GRID = 500
N_ONSITE = 4
RMIN, RMAX = 1.0, 6.0
INV_DX = (GRID - 1) / (RMAX - RMIN)
TBL = B_T * GRID * R

NC, NS, L = 2, 16, 16
NW = NC * NS
EPW = 784 * 128
C = 1024
CH_MAIN = EPW // C
CH_LAST = (E - (NW - 1) * EPW) // C
PAIRS = CH_MAIN // 2
VPC = C // L

AW = 3200
NPAD = AW * NW


def _node_lookup(at_v, onsite_v, nout_v, node_out, abase):
    iota1 = lax.iota(jnp.int32, L)

    @plsc.parallel_loop(0, AW // L)
    def _(v):
        av = at_v[pl.ds(v * L, L)] & (N_ATOM_TYPES - 1)
        gbase = av * N_ONSITE
        acol = v * L + iota1
        vals = [plsc.load_gather(onsite_v, [gbase + k])
                for k in range(N_ONSITE)]
        for k in range(N_ONSITE):
            plsc.store_scatter(nout_v, [jnp.full((L,), k, jnp.int32), acol],
                               vals[k])

    pltpu.sync_copy(nout_v, node_out.at[:, pl.ds(abase, AW)])


def _body(rij_hbm, ht_hbm, onsite_hbm, et_hbm, at_hbm,
          edge_out, node_out,
          tbl_v, onsite_v, rij_v0, rij_v1, et_v0, et_v1, out_v0, out_v1,
          at_v, nout_v,
          s_rij0, s_rij1, s_et0, s_et1, s_out0, s_out1):
    wid = lax.axis_index("s") * NC + lax.axis_index("c")
    ebase = wid * EPW
    rij_v = (rij_v0, rij_v1)
    et_v = (et_v0, et_v1)
    out_v = (out_v0, out_v1)
    s_rij = (s_rij0, s_rij1)
    s_et = (s_et0, s_et1)
    s_out = (s_out0, s_out1)

    def start_in(c, b):
        base = ebase + c * C
        pltpu.async_copy(rij_hbm.at[pl.ds(base, C)], rij_v[b], s_rij[b])
        pltpu.async_copy(et_hbm.at[pl.ds(base, C)], et_v[b], s_et[b])

    def wait_in(b):
        pltpu.make_async_copy(rij_hbm.at[pl.ds(0, C)], rij_v[b],
                              s_rij[b]).wait()
        pltpu.make_async_copy(et_hbm.at[pl.ds(0, C)], et_v[b],
                              s_et[b]).wait()

    def start_out(c, b):
        base = ebase + c * C
        pltpu.async_copy(out_v[b], edge_out.at[:, pl.ds(base, C)], s_out[b])

    def wait_out(b):
        pltpu.make_async_copy(out_v[b], edge_out.at[:, pl.ds(0, C)],
                              s_out[b]).wait()

    start_in(0, 0)
    pltpu.async_copy(ht_hbm, tbl_v, s_out[0])
    pltpu.async_copy(onsite_hbm, onsite_v, s_out[1])
    ALAST = N - (NW - 1) * AW

    @pl.when(wid < NW - 1)
    def _():
        pltpu.async_copy(at_hbm.at[pl.ds(wid * AW, AW)], at_v, s_et[1])

    @pl.when(wid == NW - 1)
    def _():
        pltpu.async_copy(at_hbm.at[pl.ds((NW - 1) * AW, ALAST)],
                         at_v.at[pl.ds(0, ALAST)], s_et[1])

    pltpu.make_async_copy(onsite_hbm, onsite_v, s_out[1]).wait()

    @pl.when(wid < NW - 1)
    def _():
        pltpu.make_async_copy(at_hbm.at[pl.ds(0, AW)], at_v, s_et[1]).wait()

    @pl.when(wid == NW - 1)
    def _():
        pltpu.make_async_copy(at_hbm.at[pl.ds(0, ALAST)],
                              at_v.at[pl.ds(0, ALAST)], s_et[1]).wait()

    _node_lookup(at_v, onsite_v, nout_v, node_out, wid * AW)
    pltpu.make_async_copy(ht_hbm, tbl_v, s_out[0]).wait()

    iota1 = lax.iota(jnp.int32, L)

    def compute_chunk(b):
        @plsc.parallel_loop(0, VPC, unroll=1)
        def _(v):
            rr = rij_v[b][pl.ds(v * L, L)]
            et = et_v[b][pl.ds(v * L, L)]
            t = (rr - RMIN) * INV_DX
            i0 = jnp.minimum(t.astype(jnp.int32), GRID - 2)
            w = t - i0.astype(jnp.float32)
            gbase = et * (GRID * R) + i0 * R
            vals = []
            for k in range(R):
                y0 = plsc.load_gather(tbl_v, [gbase + k])
                y1 = plsc.load_gather(tbl_v, [gbase + (k + R)])
                vals.append(y0 + w * (y1 - y0))
            ecol = v * L + iota1
            for k in range(R):
                plsc.store_scatter(
                    out_v[b], [jnp.full((L,), k, jnp.int32), ecol], vals[k])

    nc_w = jnp.where(wid == NW - 1, CH_LAST, CH_MAIN)

    def pair_body(p, _):
        for half in range(2):
            c = p * 2 + half

            @pl.when(c + 1 < nc_w)
            def _():
                start_in(c + 1, 1 - half)

            @pl.when(c < nc_w)
            def _():
                wait_in(half)

            @pl.when(jnp.logical_and(c >= 2, c < nc_w))
            def _():
                wait_out(half)

            @pl.when(c < nc_w)
            def _():
                compute_chunk(half)
                start_out(c, half)
        return ()

    lax.fori_loop(0, PAIRS, pair_body, (), unroll=False)
    wait_out(0)
    wait_out(1)


@functools.partial(
    pl.kernel,
    out_type=(
        jax.ShapeDtypeStruct((R, E), jnp.float32),
        jax.ShapeDtypeStruct((N_ONSITE, NPAD), jnp.float32),
    ),
    mesh=plsc.VectorSubcoreMesh(core_axis_name="c", subcore_axis_name="s"),
    compiler_params=pltpu.CompilerParams(needs_layout_passes=False),
    scratch_types=[
        pltpu.VMEM((TBL,), jnp.float32),
        pltpu.VMEM((128,), jnp.float32),
        pltpu.VMEM((C,), jnp.float32),
        pltpu.VMEM((C,), jnp.float32),
        pltpu.VMEM((C,), jnp.int32),
        pltpu.VMEM((C,), jnp.int32),
        pltpu.VMEM((R, C), jnp.float32),
        pltpu.VMEM((R, C), jnp.float32),
        pltpu.VMEM((AW,), jnp.int32),
        pltpu.VMEM((N_ONSITE, AW), jnp.float32),
        pltpu.SemaphoreType.DMA,
        pltpu.SemaphoreType.DMA,
        pltpu.SemaphoreType.DMA,
        pltpu.SemaphoreType.DMA,
        pltpu.SemaphoreType.DMA,
        pltpu.SemaphoreType.DMA,
    ],
)
def _sk_kernel(*args):
    _body(*args)


@jax.jit
def kernel(rij, hopping_tables, onsite_table, xdist, edge_type, atom_type):
    del xdist
    ht_flat = hopping_tables.reshape(-1)
    onsite_flat = jnp.pad(onsite_table.reshape(-1), (0, 128 - 2 * N_ONSITE))
    et = edge_type.astype(jnp.int32)
    at = atom_type.astype(jnp.int32)
    edge_t, node_t = _sk_kernel(rij, ht_flat, onsite_flat, et, at)
    return edge_t.T, node_t[:, :N].T

# --- scband reference (transcript-rebuilt; emitter-appended) ---
"""Pipeline reference for scband-dftbsk-9783935500642 (READ-ONLY COPY).

The authoritative reference and input builder live on the scoring server;
editing this copy changes nothing except your own understanding.
"""

import jax, jax.numpy as jnp
import numpy as np

N = 100000          # n_nodes (atoms)
E = 3200000         # n_edges (bonds)
B_T = 4             # number of bond types (C-C, C-H, H-C, H-H)
R = 10              # reduced_matrix_element (SK integrals per bond)
GRID = 500          # distance grid points in SK tables
N_ONSITE = 4        # onsite energy entries per atom type
N_ATOM_TYPES = 2
RMIN, RMAX = 1.0, 6.0


def setup_inputs(seed: int = 0) -> dict:
    key = jax.random.key(seed)
    k1, k2, k3, k4, k5 = jax.random.split(key, 5)
    rij = jax.random.uniform(k1, (E,), dtype=jnp.float32, minval=RMIN, maxval=RMAX)
    edge_type = jax.random.randint(k2, (E,), 0, B_T, dtype=jnp.int64) if jax.config.jax_enable_x64 else jax.random.randint(k2, (E,), 0, B_T, dtype=jnp.int32)
    atom_type = jax.random.randint(k3, (N,), 0, N_ATOM_TYPES, dtype=jnp.int32)
    hopping_tables = jax.random.normal(k4, (B_T, GRID, R), dtype=jnp.float32) * 0.1
    onsite_table = jax.random.normal(k5, (N_ATOM_TYPES, N_ONSITE), dtype=jnp.float32)
    xdist = jnp.linspace(RMIN, RMAX, GRID, dtype=jnp.float32)
    return {"rij": rij, "hopping_tables": hopping_tables, "onsite_table": onsite_table,
            "xdist": xdist, "edge_type": edge_type, "atom_type": atom_type}


def reference(rij, hopping_tables, onsite_table, xdist, edge_type, atom_type):
    # HoppingIntp (method='linear'): per-edge linear interpolation of the SK
    # hopping table belonging to that edge's bond type, evaluated at rij.
    # The original torch code loops over bond types with boolean masks and
    # writes into a zero-initialized EDGE_FEATURES tensor; gathering the
    # table row by edge_type is the equivalent vectorized computation.
    i1 = jnp.clip(jnp.searchsorted(xdist, rij), 1, GRID - 1)
    i0 = i1 - 1
    x0 = xdist[i0]
    x1 = xdist[i1]
    w = ((rij - x0) / (x1 - x0))[:, None]                       # [E, 1]
    y0 = hopping_tables[edge_type, i0]                          # gather [E, R]
    y1 = hopping_tables[edge_type, i1]                          # gather [E, R]
    edge_features = y0 * (1.0 - w) + y1 * w                     # [E, R]
    # OnsiteFormula functype='dftb': onsite energies are a pure table lookup
    # by (untransformed) atomic number / atom type.
    node_features = onsite_table[atom_type]                     # gather [N, N_ONSITE]
    return edge_features, node_features

if __name__ == "__main__":
    import jax
    _d = setup_inputs()
    print(jax.jit(kernel)(*tuple(_d.values())))

</pallas_src>

<mosaic_0001>
#map = affine_map<(d0, d1) -> (0)>
#map1 = affine_map<(d0, d1) -> (0, 0)>
module attributes {stable_mosaic.version = 14 : i64} {
  func.func @_sk_kernel(%arg0: i32, %arg1: i32, %arg2: memref<3200000xf32, #tpu.memory_space<hbm>>, %arg3: memref<20000xf32, #tpu.memory_space<hbm>>, %arg4: memref<128xf32, #tpu.memory_space<hbm>>, %arg5: memref<3200000xi32, #tpu.memory_space<hbm>>, %arg6: memref<100000xi32, #tpu.memory_space<hbm>>, %arg7: memref<10x3200000xf32, #tpu.memory_space<hbm>>, %arg8: memref<4x102400xf32, #tpu.memory_space<hbm>>, %arg9: memref<20000xf32, #tpu.memory_space<vmem>>, %arg10: memref<128xf32, #tpu.memory_space<vmem>>, %arg11: memref<1024xf32, #tpu.memory_space<vmem>>, %arg12: memref<1024xf32, #tpu.memory_space<vmem>>, %arg13: memref<1024xi32, #tpu.memory_space<vmem>>, %arg14: memref<1024xi32, #tpu.memory_space<vmem>>, %arg15: memref<10x1024xf32, #tpu.memory_space<vmem>>, %arg16: memref<10x1024xf32, #tpu.memory_space<vmem>>, %arg17: memref<3200xi32, #tpu.memory_space<vmem>>, %arg18: memref<4x3200xf32, #tpu.memory_space<vmem>>, %arg19: memref<!tpu.dma_semaphore, #tpu.memory_space<semaphore_mem>>, %arg20: memref<!tpu.dma_semaphore, #tpu.memory_space<semaphore_mem>>, %arg21: memref<!tpu.dma_semaphore, #tpu.memory_space<semaphore_mem>>, %arg22: memref<!tpu.dma_semaphore, #tpu.memory_space<semaphore_mem>>, %arg23: memref<!tpu.dma_semaphore, #tpu.memory_space<semaphore_mem>>, %arg24: memref<!tpu.dma_semaphore, #tpu.memory_space<semaphore_mem>>) attributes {dimension_semantics = [#tpu.dimension_semantics<core_parallel>, #tpu.dimension_semantics<subcore_parallel>], iteration_bounds = array<i64: 2, 16>, scalar_prefetch = 0 : i64, scratch_operands = 16 : i64, tpu.core_type = #tpu.core_type<sc_vector_subcore>, window_params = [{transform_indices = #map}, {transform_indices = #map}, {transform_indices = #map}, {transform_indices = #map}, {transform_indices = #map}, {transform_indices = #map1}, {transform_indices = #map1}]} {
    %mul3A = arith.constant 2 : i32
    %mul3A_0 = arith.muli %arg1, %mul3A : i32
    %add3A = arith.addi %mul3A_0, %arg0 : i32
    %mul3A_1 = arith.constant 100352 : i32
    %mul3A_2 = arith.muli %add3A, %mul3A_1 : i32
    %add3A_3 = arith.constant 0 : i32
    %add3A_4 = arith.addi %mul3A_2, %add3A_3 : i32
    %dma_start3A = tpu.memref_slice %arg2[%add3A_4] : memref<3200000xf32, #tpu.memory_space<hbm>> -> memref<1024xf32, #tpu.memory_space<hbm>>
    %dma_start3A_5 = tpu.memref_slice %arg2[%add3A_4] : memref<3200000xf32, #tpu.memory_space<hbm>> -> memref<1024xf32, #tpu.memory_space<hbm>>
    tpu.enqueue_dma source(%dma_start3A_5 : memref<1024xf32, #tpu.memory_space<hbm>>) target(%arg11 : memref<1024xf32, #tpu.memory_space<vmem>>) target_semaphore(%arg19 : memref<!tpu.dma_semaphore, #tpu.memory_space<semaphore_mem>>)
    %dma_start3A_6 = tpu.memref_slice %arg5[%add3A_4] : memref<3200000xi32, #tpu.memory_space<hbm>> -> memref<1024xi32, #tpu.memory_space<hbm>>
    %dma_start3A_7 = tpu.memref_slice %arg5[%add3A_4] : memref<3200000xi32, #tpu.memory_space<hbm>> -> memref<1024xi32, #tpu.memory_space<hbm>>
    tpu.enqueue_dma source(%dma_start3A_7 : memref<1024xi32, #tpu.memory_space<hbm>>) target(%arg13 : memref<1024xi32, #tpu.memory_space<vmem>>) target_semaphore(%arg21 : memref<!tpu.dma_semaphore, #tpu.memory_space<semaphore_mem>>)
    tpu.enqueue_dma source(%arg3 : memref<20000xf32, #tpu.memory_space<hbm>>) target(%arg9 : memref<20000xf32, #tpu.memory_space<vmem>>) target_semaphore(%arg23 : memref<!tpu.dma_semaphore, #tpu.memory_space<semaphore_mem>>)
    tpu.enqueue_dma source(%arg4 : memref<128xf32, #tpu.memory_space<hbm>>) target(%arg10 : memref<128xf32, #tpu.memory_space<vmem>>) target_semaphore(%arg24 : memref<!tpu.dma_semaphore, #tpu.memory_space<semaphore_mem>>)
    %lt3A = arith.constant 31 : i32
    %lt3A_8 = arith.cmpi slt, %add3A, %lt3A : i32
    %convert_element_type3A = arith.extui %lt3A_8 : i1 to i32
    %cond3A = arith.constant 0 : i32
    %cond3A_9 = arith.cmpi ne, %convert_element_type3A, %cond3A : i32
    scf.if %cond3A_9 {
      %mul3A_47 = arith.constant 3200 : i32
      %mul3A_48 = arith.muli %add3A, %mul3A_47 : i32
      %dma_start3A_49 = tpu.memref_slice %arg6[%mul3A_48] : memref<100000xi32, #tpu.memory_space<hbm>> -> memref<3200xi32, #tpu.memory_space<hbm>>
      %dma_start3A_50 = tpu.memref_slice %arg6[%mul3A_48] : memref<100000xi32, #tpu.memory_space<hbm>> -> memref<3200xi32, #tpu.memory_space<hbm>>
      tpu.enqueue_dma source(%dma_start3A_50 : memref<3200xi32, #tpu.memory_space<hbm>>) target(%arg17 : memref<3200xi32, #tpu.memory_space<vmem>>) target_semaphore(%arg22 : memref<!tpu.dma_semaphore, #tpu.memory_space<semaphore_mem>>)
    } else {
    }
    %eq3A = arith.constant 31 : i32
    %eq3A_10 = arith.cmpi eq, %add3A, %eq3A : i32
    %convert_element_type3A_11 = arith.extui %eq3A_10 : i1 to i32
    %cond3A_12 = arith.constant 0 : i32
    %cond3A_13 = arith.cmpi ne, %convert_element_type3A_11, %cond3A_12 : i32
    scf.if %cond3A_13 {
      %dma_start3A_47 = arith.constant 0 : i32
      %dma_start3A_48 = tpu.memref_slice %arg17[%dma_start3A_47] : memref<3200xi32, #tpu.memory_space<vmem>> -> memref<800xi32, #tpu.memory_space<vmem>>
      %dma_start3A_49 = arith.constant 99200 : i32
      %dma_start3A_50 = tpu.memref_slice %arg6[%dma_start3A_49] : memref<100000xi32, #tpu.memory_space<hbm>> -> memref<800xi32, #tpu.memory_space<hbm>>
      %dma_start3A_51 = arith.constant 0 : i32
      %dma_start3A_52 = tpu.memref_slice %arg17[%dma_start3A_51] : memref<3200xi32, #tpu.memory_space<vmem>> -> memref<800xi32, #tpu.memory_space<vmem>>
      %dma_start3A_53 = arith.constant 99200 : i32
      %dma_start3A_54 = tpu.memref_slice %arg6[%dma_start3A_53] : memref<100000xi32, #tpu.memory_space<hbm>> -> memref<800xi32, #tpu.memory_space<hbm>>
      tpu.enqueue_dma source(%dma_start3A_54 : memref<800xi32, #tpu.memory_space<hbm>>) target(%dma_start3A_52 : memref<800xi32, #tpu.memory_space<vmem>>) target_semaphore(%arg22 : memref<!tpu.dma_semaphore, #tpu.memory_space<semaphore_mem>>)
    } else {
    }
    tpu.wait_dma2 semaphore(%arg24 : memref<!tpu.dma_semaphore, #tpu.memory_space<semaphore_mem>>) src(%arg4 : memref<128xf32, #tpu.memory_space<hbm>>) dst(%arg10 : memref<128xf32, #tpu.memory_space<vmem>>)
    %lt3A_14 = arith.constant 31 : i32
    %lt3A_15 = arith.cmpi slt, %add3A, %lt3A_14 : i32
    %convert_element_type3A_16 = arith.extui %lt3A_15 : i1 to i32
    %cond3A_17 = arith.constant 0 : i32
    %cond3A_18 = arith.cmpi ne, %convert_element_type3A_16, %cond3A_17 : i32
    scf.if %cond3A_18 {
      %dma_wait3A_47 = arith.constant 0 : i32
      %dma_wait3A_48 = tpu.memref_slice %arg6[%dma_wait3A_47] : memref<100000xi32, #tpu.memory_space<hbm>> -> memref<3200xi32, #tpu.memory_space<hbm>>
      %dma_wait3A_49 = arith.constant 0 : i32
      %dma_wait3A_50 = tpu.memref_slice %arg6[%dma_wait3A_49] : memref<100000xi32, #tpu.memory_space<hbm>> -> memref<3200xi32, #tpu.memory_space<hbm>>
      tpu.wait_dma2 semaphore(%arg22 : memref<!tpu.dma_semaphore, #tpu.memory_space<semaphore_mem>>) src(%dma_wait3A_50 : memref<3200xi32, #tpu.memory_space<hbm>>) dst(%arg17 : memref<3200xi32, #tpu.memory_space<vmem>>)
    } else {
    }
    %eq3A_19 = arith.constant 31 : i32
    %eq3A_20 = arith.cmpi eq, %add3A, %eq3A_19 : i32
    %convert_element_type3A_21 = arith.extui %eq3A_20 : i1 to i32
    %cond3A_22 = arith.constant 0 : i32
    %cond3A_23 = arith.cmpi ne, %convert_element_type3A_21, %cond3A_22 : i32
    scf.if %cond3A_23 {
      %dma_wait3A_47 = arith.constant 0 : i32
      %dma_wait3A_48 = tpu.memref_slice %arg17[%dma_wait3A_47] : memref<3200xi32, #tpu.memory_space<vmem>> -> memref<800xi32, #tpu.memory_space<vmem>>
      %dma_wait3A_49 = arith.constant 0 : i32
      %dma_wait3A_50 = tpu.memref_slice %arg6[%dma_wait3A_49] : memref<100000xi32, #tpu.memory_space<hbm>> -> memref<800xi32, #tpu.memory_space<hbm>>
      %dma_wait3A_51 = arith.constant 0 : i32
      %dma_wait3A_52 = tpu.memref_slice %arg17[%dma_wait3A_51] : memref<3200xi32, #tpu.memory_space<vmem>> -> memref<800xi32, #tpu.memory_space<vmem>>
      %dma_wait3A_53 = arith.constant 0 : i32
      %dma_wait3A_54 = tpu.memref_slice %arg6[%dma_wait3A_53] : memref<100000xi32, #tpu.memory_space<hbm>> -> memref<800xi32, #tpu.memory_space<hbm>>
      tpu.wait_dma2 semaphore(%arg22 : memref<!tpu.dma_semaphore, #tpu.memory_space<semaphore_mem>>) src(%dma_wait3A_54 : memref<800xi32, #tpu.memory_space<hbm>>) dst(%dma_wait3A_52 : memref<800xi32, #tpu.memory_space<vmem>>)
    } else {
    }
    %mul3A_24 = arith.constant 3200 : i32
    %mul3A_25 = arith.muli %add3A, %mul3A_24 : i32
    %iota3A = tpu.iota {dimensions = array<i32: 0>} : vector<16xi32>
    %parallel_loop3A = arith.constant 0 : i32
    %parallel_loop3A_26 = arith.constant 200 : i32
    %parallel_loop3A_27 = arith.constant 1 : i32
    scf.for %parallel_loop3A_47 = %parallel_loop3A to %parallel_loop3A_26 step %parallel_loop3A_27  : i32 {
      %parallel_loop3A_48 = arith.constant 16 : i32
      %parallel_loop3A_49 = arith.muli %parallel_loop3A_47, %parallel_loop3A_48 : i32
      %parallel_loop3A_50 = arith.index_cast %parallel_loop3A_49 : i32 to index
      %parallel_loop3A_51 = tpu.vector_load %arg17[%parallel_loop3A_50] {strides = array<i32>} : memref<3200xi32, #tpu.memory_space<vmem>>, vector<16xi32>,
      %parallel_loop3A_52 = arith.constant 1 : i32
      %parallel_loop3A_53 = vector.broadcast %parallel_loop3A_52 : i32 to vector<16xi32>
      %parallel_loop3A_54 = arith.andi %parallel_loop3A_51, %parallel_loop3A_53 : vector<16xi32>
      %parallel_loop3A_55 = arith.constant 4 : i32
      %parallel_loop3A_56 = vector.broadcast %parallel_loop3A_55 : i32 to vector<16xi32>
      %parallel_loop3A_57 = arith.muli %parallel_loop3A_54, %parallel_loop3A_56 : vector<16xi32>
      %parallel_loop3A_58 = arith.constant 16 : i32
      %parallel_loop3A_59 = arith.muli %parallel_loop3A_47, %parallel_loop3A_58 : i32
      %parallel_loop3A_60 = vector.broadcast %parallel_loop3A_59 : i32 to vector<16xi32>
      %parallel_loop3A_61 = arith.addi %parallel_loop3A_60, %iota3A : vector<16xi32>
      %parallel_loop3A_62 = arith.constant 0 : i32
      %parallel_loop3A_63 = vector.broadcast %parallel_loop3A_62 : i32 to vector<16xi32>
      %parallel_loop3A_64 = arith.addi %parallel_loop3A_57, %parallel_loop3A_63 : vector<16xi32>
      %parallel_loop3A_65 = tpu.vector_load_idx %arg10[%parallel_loop3A_64] : memref<128xf32, #tpu.memory_space<vmem>>[vector<16xi32>], vector<16xf32>,
      %parallel_loop3A_66 = arith.constant 1 : i32
      %parallel_loop3A_67 = vector.broadcast %parallel_loop3A_66 : i32 to vector<16xi32>
      %parallel_loop3A_68 = arith.addi %parallel_loop3A_57, %parallel_loop3A_67 : vector<16xi32>
      %parallel_loop3A_69 = tpu.vector_load_idx %arg10[%parallel_loop3A_68] : memref<128xf32, #tpu.memory_space<vmem>>[vector<16xi32>], vector<16xf32>,
      %parallel_loop3A_70 = arith.constant 2 : i32
      %parallel_loop3A_71 = vector.broadcast %parallel_loop3A_70 : i32 to vector<16xi32>
      %parallel_loop3A_72 = arith.addi %parallel_loop3A_57, %parallel_loop3A_71 : vector<16xi32>
      %parallel_loop3A_73 = tpu.vector_load_idx %arg10[%parallel_loop3A_72] : memref<128xf32, #tpu.memory_space<vmem>>[vector<16xi32>], vector<16xf32>,
      %parallel_loop3A_74 = arith.constant 3 : i32
      %parallel_loop3A_75 = vector.broadcast %parallel_loop3A_74 : i32 to vector<16xi32>
      %parallel_loop3A_76 = arith.addi %parallel_loop3A_57, %parallel_loop3A_75 : vector<16xi32>
      %parallel_loop3A_77 = tpu.vector_load_idx %arg10[%parallel_loop3A_76] : memref<128xf32, #tpu.memory_space<vmem>>[vector<16xi32>], vector<16xf32>,
      %parallel_loop3A_78 = arith.constant 0 : i32
      %parallel_loop3A_79 = vector.broadcast %parallel_loop3A_78 : i32 to vector<16xi32>
      tpu.vector_store_idx %arg18[%parallel_loop3A_79, %parallel_loop3A_61], %parallel_loop3A_65 : memref<4x3200xf32, #tpu.memory_space<vmem>>[vector<16xi32>, vector<16xi32>], vector<16xf32>,
      %parallel_loop3A_80 = arith.constant 1 : i32
      %parallel_loop3A_81 = vector.broadcast %parallel_loop3A_80 : i32 to vector<16xi32>
      tpu.vector_store_idx %arg18[%parallel_loop3A_81, %parallel_loop3A_61], %parallel_loop3A_69 : memref<4x3200xf32, #tpu.memory_space<vmem>>[vector<16xi32>, vector<16xi32>], vector<16xf32>,
      %parallel_loop3A_82 = arith.constant 2 : i32
      %parallel_loop3A_83 = vector.broadcast %parallel_loop3A_82 : i32 to vector<16xi32>
      tpu.vector_store_idx %arg18[%parallel_loop3A_83, %parallel_loop3A_61], %parallel_loop3A_73 : memref<4x3200xf32, #tpu.memory_space<vmem>>[vector<16xi32>, vector<16xi32>], vector<16xf32>,
      %parallel_loop3A_84 = arith.constant 3 : i32
      %parallel_loop3A_85 = vector.broadcast %parallel_loop3A_84 : i32 to vector<16xi32>
      tpu.vector_store_idx %arg18[%parallel_loop3A_85, %parallel_loop3A_61], %parallel_loop3A_77 : memref<4x3200xf32, #tpu.memory_space<vmem>>[vector<16xi32>, vector<16xi32>], vector<16xf32>,
    } {sc.loop_unroll_factor = 1 : i64, sc.parallel_access}
    "tpu.region"() ({
      %run_scoped3A = tpu.sem_alloc : memref<!tpu.dma_semaphore, #tpu.memory_space<semaphore_mem>>
      %dma_start3A_47 = arith.constant 0 : i32
      %dma_start3A_48 = tpu.memref_slice %arg8[%dma_start3A_47, %mul3A_25] : memref<4x102400xf32, #tpu.memory_space<hbm>> -> memref<4x3200xf32, #tpu.memory_space<hbm>>
      %dma_start3A_49 = arith.constant 0 : i32
      %dma_start3A_50 = tpu.memref_slice %arg8[%dma_start3A_49, %mul3A_25] : memref<4x102400xf32, #tpu.memory_space<hbm>> -> memref<4x3200xf32, #tpu.memory_space<hbm>>
      tpu.enqueue_dma source(%arg18 : memref<4x3200xf32, #tpu.memory_space<vmem>>) target(%dma_start3A_50 : memref<4x3200xf32, #tpu.memory_space<hbm>>) target_semaphore(%run_scoped3A : memref<!tpu.dma_semaphore, #tpu.memory_space<semaphore_mem>>)
      %dma_wait3A_51 = arith.constant 0 : i32
      %dma_wait3A_52 = tpu.memref_slice %arg8[%dma_wait3A_51, %mul3A_25] : memref<4x102400xf32, #tpu.memory_space<hbm>> -> memref<4x3200xf32, #tpu.memory_space<hbm>>
      %dma_wait3A_53 = arith.constant 0 : i32
      %dma_wait3A_54 = tpu.memref_slice %arg8[%dma_wait3A_53, %mul3A_25] : memref<4x102400xf32, #tpu.memory_space<hbm>> -> memref<4x3200xf32, #tpu.memory_space<hbm>>
      tpu.wait_dma2 semaphore(%run_scoped3A : memref<!tpu.dma_semaphore, #tpu.memory_space<semaphore_mem>>) src(%arg18 : memref<4x3200xf32, #tpu.memory_space<vmem>>) dst(%dma_wait3A_54 : memref<4x3200xf32, #tpu.memory_space<hbm>>)
      tpu.yield
    }) : () -> ()
    tpu.wait_dma2 semaphore(%arg23 : memref<!tpu.dma_semaphore, #tpu.memory_space<semaphore_mem>>) src(%arg3 : memref<20000xf32, #tpu.memory_space<hbm>>) dst(%arg9 : memref<20000xf32, #tpu.memory_space<vmem>>)
    %iota3A_28 = tpu.iota {dimensions = array<i32: 0>} : vector<16xi32>
    %eq3A_29 = arith.constant 31 : i32
    %eq3A_30 = arith.cmpi eq, %add3A, %eq3A_29 : i32
    %jit3A = arith.constant 87 : i32
    %jit3A_31 = arith.constant 98 : i32
    %select_n3A = arith.select %eq3A_30, %jit3A, %jit3A_31 : i32
    %scan3A = arith.constant 0 : i32
    %scan3A_32 = arith.constant 49 : i32
    %scan3A_33 = arith.addi %scan3A, %scan3A_32 : i32
    %scan3A_34 = arith.constant 1 : i32
    scf.for %scan3A_47 = %scan3A to %scan3A_33 step %scan3A_34  : i32 {
      %mul3A_48 = arith.constant 2 : i32
      %mul3A_49 = arith.muli %scan3A_47, %mul3A_48 : i32
      %add3A_50 = arith.constant 0 : i32
      %add3A_51 = arith.addi %mul3A_49, %add3A_50 : i32
      %add3A_52 = arith.constant 1 : i32
      %add3A_53 = arith.addi %add3A_51, %add3A_52 : i32
      %lt3A_54 = arith.cmpi slt, %add3A_53, %select_n3A : i32
      %convert_element_type3A_55 = arith.extui %lt3A_54 : i1 to i32
      %cond3A_56 = arith.constant 0 : i32
      %cond3A_57 = arith.cmpi ne, %convert_element_type3A_55, %cond3A_56 : i32
      scf.if %cond3A_57 {
        %add3A_96 = arith.constant 1 : i32
        %add3A_97 = arith.addi %add3A_51, %add3A_96 : i32
        %mul3A_98 = arith.constant 1024 : i32
        %mul3A_99 = arith.muli %add3A_97, %mul3A_98 : i32
        %add3A_100 = arith.addi %mul3A_2, %mul3A_99 : i32
        %dma_start3A_101 = tpu.memref_slice %arg2[%add3A_100] : memref<3200000xf32, #tpu.memory_space<hbm>> -> memref<1024xf32, #tpu.memory_space<hbm>>
        %dma_start3A_102 = tpu.memref_slice %arg2[%add3A_100] : memref<3200000xf32, #tpu.memory_space<hbm>> -> memref<1024xf32, #tpu.memory_space<hbm>>
        tpu.enqueue_dma source(%dma_start3A_102 : memref<1024xf32, #tpu.memory_space<hbm>>) target(%arg12 : memref<1024xf32, #tpu.memory_space<vmem>>) target_semaphore(%arg20 : memref<!tpu.dma_semaphore, #tpu.memory_space<semaphore_mem>>)
        %dma_start3A_103 = tpu.memref_slice %arg5[%add3A_100] : memref<3200000xi32, #tpu.memory_space<hbm>> -> memref<1024xi32, #tpu.memory_space<hbm>>
        %dma_start3A_104 = tpu.memref_slice %arg5[%add3A_100] : memref<3200000xi32, #tpu.memory_space<hbm>> -> memref<1024xi32, #tpu.memory_space<hbm>>
        tpu.enqueue_dma source(%dma_start3A_104 : memref<1024xi32, #tpu.memory_space<hbm>>) target(%arg14 : memref<1024xi32, #tpu.memory_space<vmem>>) target_semaphore(%arg22 : memref<!tpu.dma_semaphore, #tpu.memory_space<semaphore_mem>>)
      } else {
      }
      %lt3A_58 = arith.cmpi slt, %add3A_51, %select_n3A : i32
      %convert_element_type3A_59 = arith.extui %lt3A_58 : i1 to i32
      %cond3A_60 = arith.constant 0 : i32
      %cond3A_61 = arith.cmpi ne, %convert_element_type3A_59, %cond3A_60 : i32
      scf.if %cond3A_61 {
        %dma_wait3A_96 = arith.constant 0 : i32
        %dma_wait3A_97 = tpu.memref_slice %arg2[%dma_wait3A_96] : memref<3200000xf32, #tpu.memory_space<hbm>> -> memref<1024xf32, #tpu.memory_space<hbm>>
        %dma_wait3A_98 = arith.constant 0 : i32
        %dma_wait3A_99 = tpu.memref_slice %arg2[%dma_wait3A_98] : memref<3200000xf32, #tpu.memory_space<hbm>> -> memref<1024xf32, #tpu.memory_space<hbm>>
        tpu.wait_dma2 semaphore(%arg19 : memref<!tpu.dma_semaphore, #tpu.memory_space<semaphore_mem>>) src(%dma_wait3A_99 : memref<1024xf32, #tpu.memory_space<hbm>>) dst(%arg11 : memref<1024xf32, #tpu.memory_space<vmem>>)
        %dma_wait3A_100 = arith.constant 0 : i32
        %dma_wait3A_101 = tpu.memref_slice %arg5[%dma_wait3A_100] : memref<3200000xi32, #tpu.memory_space<hbm>> -> memref<1024xi32, #tpu.memory_space<hbm>>
        %dma_wait3A_102 = arith.constant 0 : i32
        %dma_wait3A_103 = tpu.memref_slice %arg5[%dma_wait3A_102] : memref<3200000xi32, #tpu.memory_space<hbm>> -> memref<1024xi32, #tpu.memory_space<hbm>>
        tpu.wait_dma2 semaphore(%arg21 : memref<!tpu.dma_semaphore, #tpu.memory_space<semaphore_mem>>) src(%dma_wait3A_103 : memref<1024xi32, #tpu.memory_space<hbm>>) dst(%arg13 : memref<1024xi32, #tpu.memory_space<vmem>>)
      } else {
      }
      %ge3A = arith.constant 2 : i32
      %ge3A_62 = arith.cmpi sge, %add3A_51, %ge3A : i32
      %lt3A_63 = arith.cmpi slt, %add3A_51, %select_n3A : i32
      %and3A = arith.andi %ge3A_62, %lt3A_63 : i1
      %convert_element_type3A_64 = arith.extui %and3A : i1 to i32
      %cond3A_65 = arith.constant 0 : i32
      %cond3A_66 = arith.cmpi ne, %convert_element_type3A_64, %cond3A_65 : i32
      scf.if %cond3A_66 {
        %dma_wait3A_96 = arith.constant 0 : i32
        %dma_wait3A_97 = arith.constant 0 : i32
        %dma_wait3A_98 = tpu.memref_slice %arg7[%dma_wait3A_96, %dma_wait3A_97] : memref<10x3200000xf32, #tpu.memory_space<hbm>> -> memref<10x1024xf32, #tpu.memory_space<hbm>>
        %dma_wait3A_99 = arith.constant 0 : i32
        %dma_wait3A_100 = arith.constant 0 : i32
        %dma_wait3A_101 = tpu.memref_slice %arg7[%dma_wait3A_99, %dma_wait3A_100] : memref<10x3200000xf32, #tpu.memory_space<hbm>> -> memref<10x1024xf32, #tpu.memory_space<hbm>>
        tpu.wait_dma2 semaphore(%arg23 : memref<!tpu.dma_semaphore, #tpu.memory_space<semaphore_mem>>) src(%arg15 : memref<10x1024xf32, #tpu.memory_space<vmem>>) dst(%dma_wait3A_101 : memref<10x1024xf32, #tpu.memory_space<hbm>>)
      } else {
      }
      %lt3A_67 = arith.cmpi slt, %add3A_51, %select_n3A : i32
      %convert_element_type3A_68 = arith.extui %lt3A_67 : i1 to i32
      %cond3A_69 = arith.constant 0 : i32
      %cond3A_70 = arith.cmpi ne, %convert_element_type3A_68, %cond3A_69 : i32
      scf.if %cond3A_70 {
        %parallel_loop3A_96 = arith.constant 0 : i32
        %parallel_loop3A_97 = arith.constant 64 : i32
        %parallel_loop3A_98 = arith.constant 1 : i32
        scf.for %parallel_loop3A_106 = %parallel_loop3A_96 to %parallel_loop3A_97 step %parallel_loop3A_98  : i32 {
          %parallel_loop3A_107 = arith.constant 16 : i32
          %parallel_loop3A_108 = arith.muli %parallel_loop3A_106, %parallel_loop3A_107 : i32
          %parallel_loop3A_109 = arith.index_cast %parallel_loop3A_108 : i32 to index
          %parallel_loop3A_110 = tpu.vector_load %arg11[%parallel_loop3A_109] {strides = array<i32>} : memref<1024xf32, #tpu.memory_space<vmem>>, vector<16xf32>,
          %parallel_loop3A_111 = arith.constant 16 : i32
          %parallel_loop3A_112 = arith.muli %parallel_loop3A_106, %parallel_loop3A_111 : i32
          %parallel_loop3A_113 = arith.index_cast %parallel_loop3A_112 : i32 to index
          %parallel_loop3A_114 = tpu.vector_load %arg13[%parallel_loop3A_113] {strides = array<i32>} : memref<1024xi32, #tpu.memory_space<vmem>>, vector<16xi32>,
          %parallel_loop3A_115 = arith.constant 1.000000e+00 : f32
          %parallel_loop3A_116 = vector.broadcast %parallel_loop3A_115 : f32 to vector<16xf32>
          %parallel_loop3A_117 = arith.subf %parallel_loop3A_110, %parallel_loop3A_116 : vector<16xf32>
          %parallel_loop3A_118 = arith.constant 9.980000e+01 : f32
          %parallel_loop3A_119 = vector.broadcast %parallel_loop3A_118 : f32 to vector<16xf32>
          %parallel_loop3A_120 = arith.mulf %parallel_loop3A_117, %parallel_loop3A_119 : vector<16xf32>
          %parallel_loop3A_121 = arith.fptosi %parallel_loop3A_120 : vector<16xf32> to vector<16xi32>
          %parallel_loop3A_122 = arith.constant 498 : i32
          %parallel_loop3A_123 = vector.broadcast %parallel_loop3A_122 : i32 to vector<16xi32>
          %parallel_loop3A_124 = arith.minsi %parallel_loop3A_121, %parallel_loop3A_123 : vector<16xi32>
          %parallel_loop3A_125 = arith.sitofp %parallel_loop3A_124 : vector<16xi32> to vector<16xf32>
          %parallel_loop3A_126 = arith.subf %parallel_loop3A_120, %parallel_loop3A_125 : vector<16xf32>
          %parallel_loop3A_127 = arith.constant 5000 : i32
          %parallel_loop3A_128 = vector.broadcast %parallel_loop3A_127 : i32 to vector<16xi32>
          %parallel_loop3A_129 = arith.muli %parallel_loop3A_114, %parallel_loop3A_128 : vector<16xi32>
          %parallel_loop3A_130 = arith.constant 10 : i32
          %parallel_loop3A_131 = vector.broadcast %parallel_loop3A_130 : i32 to vector<16xi32>
          %parallel_loop3A_132 = arith.muli %parallel_loop3A_124, %parallel_loop3A_131 : vector<16xi32>
          %parallel_loop3A_133 = arith.addi %parallel_loop3A_129, %parallel_loop3A_132 : vector<16xi32>
          %parallel_loop3A_134 = arith.constant 0 : i32
          %parallel_loop3A_135 = vector.broadcast %parallel_loop3A_134 : i32 to vector<16xi32>
          %parallel_loop3A_136 = arith.addi %parallel_loop3A_133, %parallel_loop3A_135 : vector<16xi32>
          %parallel_loop3A_137 = tpu.vector_load_idx %arg9[%parallel_loop3A_136] : memref<20000xf32, #tpu.memory_space<vmem>>[vector<16xi32>], vector<16xf32>,
          %parallel_loop3A_138 = arith.constant 10 : i32
          %parallel_loop3A_139 = vector.broadcast %parallel_loop3A_138 : i32 to vector<16xi32>
          %parallel_loop3A_140 = arith.addi %parallel_loop3A_133, %parallel_loop3A_139 : vector<16xi32>
          %parallel_loop3A_141 = tpu.vector_load_idx %arg9[%parallel_loop3A_140] : memref<20000xf32, #tpu.memory_space<vmem>>[vector<16xi32>], vector<16xf32>,
          %parallel_loop3A_142 = arith.subf %parallel_loop3A_141, %parallel_loop3A_137 : vector<16xf32>
          %parallel_loop3A_143 = arith.mulf %parallel_loop3A_126, %parallel_loop3A_142 : vector<16xf32>
          %parallel_loop3A_144 = arith.addf %parallel_loop3A_137, %parallel_loop3A_143 : vector<16xf32>
          %parallel_loop3A_145 = arith.constant 1 : i32
          %parallel_loop3A_146 = vector.broadcast %parallel_loop3A_145 : i32 to vector<16xi32>
          %parallel_loop3A_147 = arith.addi %parallel_loop3A_133, %parallel_loop3A_146 : vector<16xi32>
          %parallel_loop3A_148 = tpu.vector_load_idx %arg9[%parallel_loop3A_147] : memref<20000xf32, #tpu.memory_space<vmem>>[vector<16xi32>], vector<16xf32>,
          %parallel_loop3A_149 = arith.constant 11 : i32
          %parallel_loop3A_150 = vector.broadcast %parallel_loop3A_149 : i32 to vector<16xi32>
          %parallel_loop3A_151 = arith.addi %parallel_loop3A_133, %parallel_loop3A_150 : vector<16xi32>
          %parallel_loop3A_152 = tpu.vector_load_idx %arg9[%parallel_loop3A_151] : memref<20000xf32, #tpu.memory_space<vmem>>[vector<16xi32>], vector<16xf32>,
          %parallel_loop3A_153 = arith.subf %parallel_loop3A_152, %parallel_loop3A_148 : vector<16xf32>
          %parallel_loop3A_154 = arith.mulf %parallel_loop3A_126, %parallel_loop3A_153 : vector<16xf32>
          %parallel_loop3A_155 = arith.addf %parallel_loop3A_148, %parallel_loop3A_154 : vector<16xf32>
          %parallel_loop3A_156 = arith.constant 2 : i32
          %parallel_loop3A_157 = vector.broadcast %parallel_loop3A_156 : i32 to vector<16xi32>
          %parallel_loop3A_158 = arith.addi %parallel_loop3A_133, %parallel_loop3A_157 : vector<16xi32>
          %parallel_loop3A_159 = tpu.vector_load_idx %arg9[%parallel_loop3A_158] : memref<20000xf32, #tpu.memory_space<vmem>>[vector<16xi32>], vector<16xf32>,
          %parallel_loop3A_160 = arith.constant 12 : i32
          %parallel_loop3A_161 = vector.broadcast %parallel_loop3A_160 : i32 to vector<16xi32>
          %parallel_loop3A_162 = arith.addi %parallel_loop3A_133, %parallel_loop3A_161 : vector<16xi32>
          %parallel_loop3A_163 = tpu.vector_load_idx %arg9[%parallel_loop3A_162] : memref<20000xf32, #tpu.memory_space<vmem>>[vector<16xi32>], vector<16xf32>,
          %parallel_loop3A_164 = arith.subf %parallel_loop3A_163, %parallel_loop3A_159 : vector<16xf32>
          %parallel_loop3A_165 = arith.mulf %parallel_loop3A_126, %parallel_loop3A_164 : vector<16xf32>
          %parallel_loop3A_166 = arith.addf %parallel_loop3A_159, %parallel_loop3A_165 : vector<16xf32>
          %parallel_loop3A_167 = arith.constant 3 : i32
          %parallel_loop3A_168 = vector.broadcast %parallel_loop3A_167 : i32 to vector<16xi32>
          %parallel_loop3A_169 = arith.addi %parallel_loop3A_133, %parallel_loop3A_168 : vector<16xi32>
          %parallel_loop3A_170 = tpu.vector_load_idx %arg9[%parallel_loop3A_169] : memref<20000xf32, #tpu.memory_space<vmem>>[vector<16xi32>], vector<16xf32>,
          %parallel_loop3A_171 = arith.constant 13 : i32
          %parallel_loop3A_172 = vector.broadcast %parallel_loop3A_171 : i32 to vector<16xi32>
          %parallel_loop3A_173 = arith.addi %parallel_loop3A_133, %parallel_loop3A_172 : vector<16xi32>
          %parallel_loop3A_174 = tpu.vector_load_idx %arg9[%parallel_loop3A_173] : memref<20000xf32, #tpu.memory_space<vmem>>[vector<16xi32>], vector<16xf32>,
          %parallel_loop3A_175 = arith.subf %parallel_loop3A_174, %parallel_loop3A_170 : vector<16xf32>
          %parallel_loop3A_176 = arith.mulf %parallel_loop3A_126, %parallel_loop3A_175 : vector<16xf32>
          %parallel_loop3A_177 = arith.addf %parallel_loop3A_170, %parallel_loop3A_176 : vector<16xf32>
          %parallel_loop3A_178 = arith.constant 4 : i32
          %parallel_loop3A_179 = vector.broadcast %parallel_loop3A_178 : i32 to vector<16xi32>
          %parallel_loop3A_180 = arith.addi %parallel_loop3A_133, %parallel_loop3A_179 : vector<16xi32>
          %parallel_loop3A_181 = tpu.vector_load_idx %arg9[%parallel_loop3A_180] : memref<20000xf32, #tpu.memory_space<vmem>>[vector<16xi32>], vector<16xf32>,
          %parallel_loop3A_182 = arith.constant 14 : i32
          %parallel_loop3A_183 = vector.broadcast %parallel_loop3A_182 : i32 to vector<16xi32>
          %parallel_loop3A_184 = arith.addi %parallel_loop3A_133, %parallel_loop3A_183 : vector<16xi32>
          %parallel_loop3A_185 = tpu.vector_load_idx %arg9[%parallel_loop3A_184] : memref<20000xf32, #tpu.memory_space<vmem>>[vector<16xi32>], vector<16xf32>,
          %parallel_loop3A_186 = arith.subf %parallel_loop3A_185, %parallel_loop3A_181 : vector<16xf32>
          %parallel_loop3A_187 = arith.mulf %parallel_loop3A_126, %parallel_loop3A_186 : vector<16xf32>
          %parallel_loop3A_188 = arith.addf %parallel_loop3A_181, %parallel_loop3A_187 : vector<16xf32>
          %parallel_loop3A_189 = arith.constant 5 : i32
          %parallel_loop3A_190 = vector.broadcast %parallel_loop3A_189 : i32 to vector<16xi32>
          %parallel_loop3A_191 = arith.addi %parallel_loop3A_133, %parallel_loop3A_190 : vector<16xi32>
          %parallel_loop3A_192 = tpu.vector_load_idx %arg9[%parallel_loop3A_191] : memref<20000xf32, #tpu.memory_space<vmem>>[vector<16xi32>], vector<16xf32>,
          %parallel_loop3A_193 = arith.constant 15 : i32
          %parallel_loop3A_194 = vector.broadcast %parallel_loop3A_193 : i32 to vector<16xi32>
          %parallel_loop3A_195 = arith.addi %parallel_loop3A_133, %parallel_loop3A_194 : vector<16xi32>
          %parallel_loop3A_196 = tpu.vector_load_idx %arg9[%parallel_loop3A_195] : memref<20000xf32, #tpu.memory_space<vmem>>[vector<16xi32>], vector<16xf32>,
          %parallel_loop3A_197 = arith.subf %parallel_loop3A_196, %parallel_loop3A_192 : vector<16xf32>
          %parallel_loop3A_198 = arith.mulf %parallel_loop3A_126, %parallel_loop3A_197 : vector<16xf32>
          %parallel_loop3A_199 = arith.addf %parallel_loop3A_192, %parallel_loop3A_198 : vector<16xf32>
          %parallel_loop3A_200 = arith.constant 6 : i32
          %parallel_loop3A_201 = vector.broadcast %parallel_loop3A_200 : i32 to vector<16xi32>
          %parallel_loop3A_202 = arith.addi %parallel_loop3A_133, %parallel_loop3A_201 : vector<16xi32>
          %parallel_loop3A_203 = tpu.vector_load_idx %arg9[%parallel_loop3A_202] : memref<20000xf32, #tpu.memory_space<vmem>>[vector<16xi32>], vector<16xf32>,
          %parallel_loop3A_204 = arith.constant 16 : i32
          %parallel_loop3A_205 = vector.broadcast %parallel_loop3A_204 : i32 to vector<16xi32>
          %parallel_loop3A_206 = arith.addi %parallel_loop3A_133, %parallel_loop3A_205 : vector<16xi32>
          %parallel_loop3A_207 = tpu.vector_load_idx %arg9[%parallel_loop3A_206] : memref<20000xf32, #tpu.memory_space<vmem>>[vector<16xi32>], vector<16xf32>,
          %parallel_loop3A_208 = arith.subf %parallel_loop3A_207, %parallel_loop3A_203 : vector<16xf32>
          %parallel_loop3A_209 = arith.mulf %parallel_loop3A_126, %parallel_loop3A_208 : vector<16xf32>
          %parallel_loop3A_210 = arith.addf %parallel_loop3A_203, %parallel_loop3A_209 : vector<16xf32>
          %parallel_loop3A_211 = arith.constant 7 : i32
          %parallel_loop3A_212 = vector.broadcast %parallel_loop3A_211 : i32 to vector<16xi32>
          %parallel_loop3A_213 = arith.addi %parallel_loop3A_133, %parallel_loop3A_212 : vector<16xi32>
          %parallel_loop3A_214 = tpu.vector_load_idx %arg9[%parallel_loop3A_213] : memref<20000xf32, #tpu.memory_space<vmem>>[vector<16xi32>], vector<16xf32>,
          %parallel_loop3A_215 = arith.constant 17 : i32
          %parallel_loop3A_216 = vector.broadcast %parallel_loop3A_215 : i32 to vector<16xi32>
          %parallel_loop3A_217 = arith.addi %parallel_loop3A_133, %parallel_loop3A_216 : vector<16xi32>
          %parallel_loop3A_218 = tpu.vector_load_idx %arg9[%parallel_loop3A_217] : memref<20000xf32, #tpu.memory_space<vmem>>[vector<16xi32>], vector<16xf32>,
          %parallel_loop3A_219 = arith.subf %parallel_loop3A_218, %parallel_loop3A_214 : vector<16xf32>
          %parallel_loop3A_220 = arith.mulf %parallel_loop3A_126, %parallel_loop3A_219 : vector<16xf32>
          %parallel_loop3A_221 = arith.addf %parallel_loop3A_214, %parallel_loop3A_220 : vector<16xf32>
          %parallel_loop3A_222 = arith.constant 8 : i32
          %parallel_loop3A_223 = vector.broadcast %parallel_loop3A_222 : i32 to vector<16xi32>
          %parallel_loop3A_224 = arith.addi %parallel_loop3A_133, %parallel_loop3A_223 : vector<16xi32>
          %parallel_loop3A_225 = tpu.vector_load_idx %arg9[%parallel_loop3A_224] : memref<20000xf32, #tpu.memory_space<vmem>>[vector<16xi32>], vector<16xf32>,
          %parallel_loop3A_226 = arith.constant 18 : i32
          %parallel_loop3A_227 = vector.broadcast %parallel_loop3A_226 : i32 to vector<16xi32>
          %parallel_loop3A_228 = arith.addi %parallel_loop3A_133, %parallel_loop3A_227 : vector<16xi32>
          %parallel_loop3A_229 = tpu.vector_load_idx %arg9[%parallel_loop3A_228] : memref<20000xf32, #tpu.memory_space<vmem>>[vector<16xi32>], vector<16xf32>,
          %parallel_loop3A_230 = arith.subf %parallel_loop3A_229, %parallel_loop3A_225 : vector<16xf32>
          %parallel_loop3A_231 = arith.mulf %parallel_loop3A_126, %parallel_loop3A_230 : vector<16xf32>
          %parallel_loop3A_232 = arith.addf %parallel_loop3A_225, %parallel_loop3A_231 : vector<16xf32>
          %parallel_loop3A_233 = arith.constant 9 : i32
          %parallel_loop3A_234 = vector.broadcast %parallel_loop3A_233 : i32 to vector<16xi32>
          %parallel_loop3A_235 = arith.addi %parallel_loop3A_133, %parallel_loop3A_234 : vector<16xi32>
          %parallel_loop3A_236 = tpu.vector_load_idx %arg9[%parallel_loop3A_235] : memref<20000xf32, #tpu.memory_space<vmem>>[vector<16xi32>], vector<16xf32>,
          %parallel_loop3A_237 = arith.constant 19 : i32
          %parallel_loop3A_238 = vector.broadcast %parallel_loop3A_237 : i32 to vector<16xi32>
          %parallel_loop3A_239 = arith.addi %parallel_loop3A_133, %parallel_loop3A_238 : vector<16xi32>
          %parallel_loop3A_240 = tpu.vector_load_idx %arg9[%parallel_loop3A_239] : memref<20000xf32, #tpu.memory_space<vmem>>[vector<16xi32>], vector<16xf32>,
          %parallel_loop3A_241 = arith.subf %parallel_loop3A_240, %parallel_loop3A_236 : vector<16xf32>
          %parallel_loop3A_242 = arith.mulf %parallel_loop3A_126, %parallel_loop3A_241 : vector<16xf32>
          %parallel_loop3A_243 = arith.addf %parallel_loop3A_236, %parallel_loop3A_242 : vector<16xf32>
          %parallel_loop3A_244 = arith.constant 16 : i32
          %parallel_loop3A_245 = arith.muli %parallel_loop3A_106, %parallel_loop3A_244 : i32
          %parallel_loop3A_246 = vector.broadcast %parallel_loop3A_245 : i32 to vector<16xi32>
          %parallel_loop3A_247 = arith.addi %parallel_loop3A_246, %iota3A_28 : vector<16xi32>
          %parallel_loop3A_248 = arith.constant 0 : i32
          %parallel_loop3A_249 = vector.broadcast %parallel_loop3A_248 : i32 to vector<16xi32>
          tpu.vector_store_idx %arg15[%parallel_loop3A_249, %parallel_loop3A_247], %parallel_loop3A_144 : memref<10x1024xf32, #tpu.memory_space<vmem>>[vector<16xi32>, vector<16xi32>], vector<16xf32>,
          %parallel_loop3A_250 = arith.constant 1 : i32
          %parallel_loop3A_251 = vector.broadcast %parallel_loop3A_250 : i32 to vector<16xi32>
          tpu.vector_store_idx %arg15[%parallel_loop3A_251, %parallel_loop3A_247], %parallel_loop3A_155 : memref<10x1024xf32, #tpu.memory_space<vmem>>[vector<16xi32>, vector<16xi32>], vector<16xf32>,
          %parallel_loop3A_252 = arith.constant 2 : i32
          %parallel_loop3A_253 = vector.broadcast %parallel_loop3A_252 : i32 to vector<16xi32>
          tpu.vector_store_idx %arg15[%parallel_loop3A_253, %parallel_loop3A_247], %parallel_loop3A_166 : memref<10x1024xf32, #tpu.memory_space<vmem>>[vector<16xi32>, vector<16xi32>], vector<16xf32>,
          %parallel_loop3A_254 = arith.constant 3 : i32
          %parallel_loop3A_255 = vector.broadcast %parallel_loop3A_254 : i32 to vector<16xi32>
          tpu.vector_store_idx %arg15[%parallel_loop3A_255, %parallel_loop3A_247], %parallel_loop3A_177 : memref<10x1024xf32, #tpu.memory_space<vmem>>[vector<16xi32>, vector<16xi32>], vector<16xf32>,
          %parallel_loop3A_256 = arith.constant 4 : i32
          %parallel_loop3A_257 = vector.broadcast %parallel_loop3A_256 : i32 to vector<16xi32>
          tpu.vector_store_idx %arg15[%parallel_loop3A_257, %parallel_loop3A_247], %parallel_loop3A_188 : memref<10x1024xf32, #tpu.memory_space<vmem>>[vector<16xi32>, vector<16xi32>], vector<16xf32>,
          %parallel_loop3A_258 = arith.constant 5 : i32
          %parallel_loop3A_259 = vector.broadcast %parallel_loop3A_258 : i32 to vector<16xi32>
          tpu.vector_store_idx %arg15[%parallel_loop3A_259, %parallel_loop3A_247], %parallel_loop3A_199 : memref<10x1024xf32, #tpu.memory_space<vmem>>[vector<16xi32>, vector<16xi32>], vector<16xf32>,
          %parallel_loop3A_260 = arith.constant 6 : i32
          %parallel_loop3A_261 = vector.broadcast %parallel_loop3A_260 : i32 to vector<16xi32>
          tpu.vector_store_idx %arg15[%parallel_loop3A_261, %parallel_loop3A_247], %parallel_loop3A_210 : memref<10x1024xf32, #tpu.memory_space<vmem>>[vector<16xi32>, vector<16xi32>], vector<16xf32>,
          %parallel_loop3A_262 = arith.constant 7 : i32
          %parallel_loop3A_263 = vector.broadcast %parallel_loop3A_262 : i32 to vector<16xi32>
          tpu.vector_store_idx %arg15[%parallel_loop3A_263, %parallel_loop3A_247], %parallel_loop3A_221 : memref<10x1024xf32, #tpu.memory_space<vmem>>[vector<16xi32>, vector<16xi32>], vector<16xf32>,
          %parallel_loop3A_264 = arith.constant 8 : i32
          %parallel_loop3A_265 = vector.broadcast %parallel_loop3A_264 : i32 to vector<16xi32>
          tpu.vector_store_idx %arg15[%parallel_loop3A_265, %parallel_loop3A_247], %parallel_loop3A_232 : memref<10x1024xf32, #tpu.memory_space<vmem>>[vector<16xi32>, vector<16xi32>], vector<16xf32>,
          %parallel_loop3A_266 = arith.constant 9 : i32
          %parallel_loop3A_267 = vector.broadcast %parallel_loop3A_266 : i32 to vector<16xi32>
          tpu.vector_store_idx %arg15[%parallel_loop3A_267, %parallel_loop3A_247], %parallel_loop3A_243 : memref<10x1024xf32, #tpu.memory_space<vmem>>[vector<16xi32>, vector<16xi32>], vector<16xf32>,
        } {sc.loop_unroll_factor = 1 : i64, sc.parallel_access}
        %mul3A_99 = arith.constant 1024 : i32
        %mul3A_100 = arith.muli %add3A_51, %mul3A_99 : i32
        %add3A_101 = arith.addi %mul3A_2, %mul3A_100 : i32
        %dma_start3A_102 = arith.constant 0 : i32
        %dma_start3A_103 = tpu.memref_slice %arg7[%dma_start3A_102, %add3A_101] : memref<10x3200000xf32, #tpu.memory_space<hbm>> -> memref<10x1024xf32, #tpu.memory_space<hbm>>
        %dma_start3A_104 = arith.constant 0 : i32
        %dma_start3A_105 = tpu.memref_slice %arg7[%dma_start3A_104, %add3A_101] : memref<10x3200000xf32, #tpu.memory_space<hbm>> -> memref<10x1024xf32, #tpu.memory_space<hbm>>
        tpu.enqueue_dma source(%arg15 : memref<10x1024xf32, #tpu.memory_space<vmem>>) target(%dma_start3A_105 : memref<10x1024xf32, #tpu.memory_space<hbm>>) target_semaphore(%arg23 : memref<!tpu.dma_semaphore, #tpu.memory_space<semaphore_mem>>)
      } else {
      }
      %mul3A_71 = arith.constant 2 : i32
      %mul3A_72 = arith.muli %scan3A_47, %mul3A_71 : i32
      %add3A_73 = arith.constant 1 : i32
      %add3A_74 = arith.addi %mul3A_72, %add3A_73 : i32
      %add3A_75 = arith.constant 1 : i32
      %add3A_76 = arith.addi %add3A_74, %add3A_75 : i32
      %lt3A_77 = arith.cmpi slt, %add3A_76, %select_n3A : i32
      %convert_element_type3A_78 = arith.extui %lt3A_77 : i1 to i32
      %cond3A_79 = arith.constant 0 : i32
      %cond3A_80 = arith.cmpi ne, %convert_element_type3A_78, %cond3A_79 : i32
      scf.if %cond3A_80 {
        %add3A_96 = arith.constant 1 : i32
        %add3A_97 = arith.addi %add3A_74, %add3A_96 : i32
        %mul3A_98 = arith.constant 1024 : i32
        %mul3A_99 = arith.muli %add3A_97, %mul3A_98 : i32
        %add3A_100 = arith.addi %mul3A_2, %mul3A_99 : i32
        %dma_start3A_101 = tpu.memref_slice %arg2[%add3A_100] : memref<3200000xf32, #tpu.memory_space<hbm>> -> memref<1024xf32, #tpu.memory_space<hbm>>
        %dma_start3A_102 = tpu.memref_slice %arg2[%add3A_100] : memref<3200000xf32, #tpu.memory_space<hbm>> -> memref<1024xf32, #tpu.memory_space<hbm>>
        tpu.enqueue_dma source(%dma_start3A_102 : memref<1024xf32, #tpu.memory_space<hbm>>) target(%arg11 : memref<1024xf32, #tpu.memory_space<vmem>>) target_semaphore(%arg19 : memref<!tpu.dma_semaphore, #tpu.memory_space<semaphore_mem>>)
        %dma_start3A_103 = tpu.memref_slice %arg5[%add3A_100] : memref<3200000xi32, #tpu.memory_space<hbm>> -> memref<1024xi32, #tpu.memory_space<hbm>>
        %dma_start3A_104 = tpu.memref_slice %arg5[%add3A_100] : memref<3200000xi32, #tpu.memory_space<hbm>> -> memref<1024xi32, #tpu.memory_space<hbm>>
        tpu.enqueue_dma source(%dma_start3A_104 : memref<1024xi32, #tpu.memory_space<hbm>>) target(%arg13 : memref<1024xi32, #tpu.memory_space<vmem>>) target_semaphore(%arg21 : memref<!tpu.dma_semaphore, #tpu.memory_space<semaphore_mem>>)
      } else {
      }
      %lt3A_81 = arith.cmpi slt, %add3A_74, %select_n3A : i32
      %convert_element_type3A_82 = arith.extui %lt3A_81 : i1 to i32
      %cond3A_83 = arith.constant 0 : i32
      %cond3A_84 = arith.cmpi ne, %convert_element_type3A_82, %cond3A_83 : i32
      scf.if %cond3A_84 {
        %dma_wait3A_96 = arith.constant 0 : i32
        %dma_wait3A_97 = tpu.memref_slice %arg2[%dma_wait3A_96] : memref<3200000xf32, #tpu.memory_space<hbm>> -> memref<1024xf32, #tpu.memory_space<hbm>>
        %dma_wait3A_98 = arith.constant 0 : i32
        %dma_wait3A_99 = tpu.memref_slice %arg2[%dma_wait3A_98] : memref<3200000xf32, #tpu.memory_space<hbm>> -> memref<1024xf32, #tpu.memory_space<hbm>>
        tpu.wait_dma2 semaphore(%arg20 : memref<!tpu.dma_semaphore, #tpu.memory_space<semaphore_mem>>) src(%dma_wait3A_99 : memref<1024xf32, #tpu.memory_space<hbm>>) dst(%arg12 : memref<1024xf32, #tpu.memory_space<vmem>>)
        %dma_wait3A_100 = arith.constant 0 : i32
        %dma_wait3A_101 = tpu.memref_slice %arg5[%dma_wait3A_100] : memref<3200000xi32, #tpu.memory_space<hbm>> -> memref<1024xi32, #tpu.memory_space<hbm>>
        %dma_wait3A_102 = arith.constant 0 : i32
        %dma_wait3A_103 = tpu.memref_slice %arg5[%dma_wait3A_102] : memref<3200000xi32, #tpu.memory_space<hbm>> -> memref<1024xi32, #tpu.memory_space<hbm>>
        tpu.wait_dma2 semaphore(%arg22 : memref<!tpu.dma_semaphore, #tpu.memory_space<semaphore_mem>>) src(%dma_wait3A_103 : memref<1024xi32, #tpu.memory_space<hbm>>) dst(%arg14 : memref<1024xi32, #tpu.memory_space<vmem>>)
      } else {
      }
      %ge3A_85 = arith.constant 2 : i32
      %ge3A_86 = arith.cmpi sge, %add3A_74, %ge3A_85 : i32
      %lt3A_87 = arith.cmpi slt, %add3A_74, %select_n3A : i32
      %and3A_88 = arith.andi %ge3A_86, %lt3A_87 : i1
      %convert_element_type3A_89 = arith.extui %and3A_88 : i1 to i32
      %cond3A_90 = arith.constant 0 : i32
      %cond3A_91 = arith.cmpi ne, %convert_element_type3A_89, %cond3A_90 : i32
      scf.if %cond3A_91 {
        %dma_wait3A_96 = arith.constant 0 : i32
        %dma_wait3A_97 = arith.constant 0 : i32
        %dma_wait3A_98 = tpu.memref_slice %arg7[%dma_wait3A_96, %dma_wait3A_97] : memref<10x3200000xf32, #tpu.memory_space<hbm>> -> memref<10x1024xf32, #tpu.memory_space<hbm>>
        %dma_wait3A_99 = arith.constant 0 : i32
        %dma_wait3A_100 = arith.constant 0 : i32
        %dma_wait3A_101 = tpu.memref_slice %arg7[%dma_wait3A_99, %dma_wait3A_100] : memref<10x3200000xf32, #tpu.memory_space<hbm>> -> memref<10x1024xf32, #tpu.memory_space<hbm>>
        tpu.wait_dma2 semaphore(%arg24 : memref<!tpu.dma_semaphore, #tpu.memory_space<semaphore_mem>>) src(%arg16 : memref<10x1024xf32, #tpu.memory_space<vmem>>) dst(%dma_wait3A_101 : memref<10x1024xf32, #tpu.memory_space<hbm>>)
      } else {
      }
      %lt3A_92 = arith.cmpi slt, %add3A_74, %select_n3A : i32
      %convert_element_type3A_93 = arith.extui %lt3A_92 : i1 to i32
      %cond3A_94 = arith.constant 0 : i32
      %cond3A_95 = arith.cmpi ne, %convert_element_type3A_93, %cond3A_94 : i32
      scf.if %cond3A_95 {
        %parallel_loop3A_96 = arith.constant 0 : i32
        %parallel_loop3A_97 = arith.constant 64 : i32
        %parallel_loop3A_98 = arith.constant 1 : i32
        scf.for %parallel_loop3A_106 = %parallel_loop3A_96 to %parallel_loop3A_97 step %parallel_loop3A_98  : i32 {
          %parallel_loop3A_107 = arith.constant 16 : i32
          %parallel_loop3A_108 = arith.muli %parallel_loop3A_106, %parallel_loop3A_107 : i32
          %parallel_loop3A_109 = arith.index_cast %parallel_loop3A_108 : i32 to index
          %parallel_loop3A_110 = tpu.vector_load %arg12[%parallel_loop3A_109] {strides = array<i32>} : memref<1024xf32, #tpu.memory_space<vmem>>, vector<16xf32>,
          %parallel_loop3A_111 = arith.constant 16 : i32
          %parallel_loop3A_112 = arith.muli %parallel_loop3A_106, %parallel_loop3A_111 : i32
          %parallel_loop3A_113 = arith.index_cast %parallel_loop3A_112 : i32 to index
          %parallel_loop3A_114 = tpu.vector_load %arg14[%parallel_loop3A_113] {strides = array<i32>} : memref<1024xi32, #tpu.memory_space<vmem>>, vector<16xi32>,
          %parallel_loop3A_115 = arith.constant 1.000000e+00 : f32
          %parallel_loop3A_116 = vector.broadcast %parallel_loop3A_115 : f32 to vector<16xf32>
          %parallel_loop3A_117 = arith.subf %parallel_loop3A_110, %parallel_loop3A_116 : vector<16xf32>
          %parallel_loop3A_118 = arith.constant 9.980000e+01 : f32
          %parallel_loop3A_119 = vector.broadcast %parallel_loop3A_118 : f32 to vector<16xf32>
          %parallel_loop3A_120 = arith.mulf %parallel_loop3A_117, %parallel_loop3A_119 : vector<16xf32>
          %parallel_loop3A_121 = arith.fptosi %parallel_loop3A_120 : vector<16xf32> to vector<16xi32>
          %parallel_loop3A_122 = arith.constant 498 : i32
          %parallel_loop3A_123 = vector.broadcast %parallel_loop3A_122 : i32 to vector<16xi32>
          %parallel_loop3A_124 = arith.minsi %parallel_loop3A_121, %parallel_loop3A_123 : vector<16xi32>
          %parallel_loop3A_125 = arith.sitofp %parallel_loop3A_124 : vector<16xi32> to vector<16xf32>
          %parallel_loop3A_126 = arith.subf %parallel_loop3A_120, %parallel_loop3A_125 : vector<16xf32>
          %parallel_loop3A_127 = arith.constant 5000 : i32
          %parallel_loop3A_128 = vector.broadcast %parallel_loop3A_127 : i32 to vector<16xi32>
          %parallel_loop3A_129 = arith.muli %parallel_loop3A_114, %parallel_loop3A_128 : vector<16xi32>
          %parallel_loop3A_130 = arith.constant 10 : i32
          %parallel_loop3A_131 = vector.broadcast %parallel_loop3A_130 : i32 to vector<16xi32>
          %parallel_loop3A_132 = arith.muli %parallel_loop3A_124, %parallel_loop3A_131 : vector<16xi32>
          %parallel_loop3A_133 = arith.addi %parallel_loop3A_129, %parallel_loop3A_132 : vector<16xi32>
          %parallel_loop3A_134 = arith.constant 0 : i32
          %parallel_loop3A_135 = vector.broadcast %parallel_loop3A_134 : i32 to vector<16xi32>
          %parallel_loop3A_136 = arith.addi %parallel_loop3A_133, %parallel_loop3A_135 : vector<16xi32>
          %parallel_loop3A_137 = tpu.vector_load_idx %arg9[%parallel_loop3A_136] : memref<20000xf32, #tpu.memory_space<vmem>>[vector<16xi32>], vector<16xf32>,
          %parallel_loop3A_138 = arith.constant 10 : i32
          %parallel_loop3A_139 = vector.broadcast %parallel_loop3A_138 : i32 to vector<16xi32>
          %parallel_loop3A_140 = arith.addi %parallel_loop3A_133, %parallel_loop3A_139 : vector<16xi32>
          %parallel_loop3A_141 = tpu.vector_load_idx %arg9[%parallel_loop3A_140] : memref<20000xf32, #tpu.memory_space<vmem>>[vector<16xi32>], vector<16xf32>,
          %parallel_loop3A_142 = arith.subf %parallel_loop3A_141, %parallel_loop3A_137 : vector<16xf32>
          %parallel_loop3A_143 = arith.mulf %parallel_loop3A_126, %parallel_loop3A_142 : vector<16xf32>
          %parallel_loop3A_144 = arith.addf %parallel_loop3A_137, %parallel_loop3A_143 : vector<16xf32>
          %parallel_loop3A_145 = arith.constant 1 : i32
          %parallel_loop3A_146 = vector.broadcast %parallel_loop3A_145 : i32 to vector<16xi32>
          %parallel_loop3A_147 = arith.addi %parallel_loop3A_133, %parallel_loop3A_146 : vector<16xi32>
          %parallel_loop3A_148 = tpu.vector_load_idx %arg9[%parallel_loop3A_147] : memref<20000xf32, #tpu.memory_space<vmem>>[vector<16xi32>], vector<16xf32>,
          %parallel_loop3A_149 = arith.constant 11 : i32
          %parallel_loop3A_150 = vector.broadcast %parallel_loop3A_149 : i32 to vector<16xi32>
          %parallel_loop3A_151 = arith.addi %parallel_loop3A_133, %parallel_loop3A_150 : vector<16xi32>
          %parallel_loop3A_152 = tpu.vector_load_idx %arg9[%parallel_loop3A_151] : memref<20000xf32, #tpu.memory_space<vmem>>[vector<16xi32>], vector<16xf32>,
          %parallel_loop3A_153 = arith.subf %parallel_loop3A_152, %parallel_loop3A_148 : vector<16xf32>
          %parallel_loop3A_154 = arith.mulf %parallel_loop3A_126, %parallel_loop3A_153 : vector<16xf32>
          %parallel_loop3A_155 = arith.addf %parallel_loop3A_148, %parallel_loop3A_154 : vector<16xf32>
          %parallel_loop3A_156 = arith.constant 2 : i32
          %parallel_loop3A_157 = vector.broadcast %parallel_loop3A_156 : i32 to vector<16xi32>
          %parallel_loop3A_158 = arith.addi %parallel_loop3A_133, %parallel_loop3A_157 : vector<16xi32>
          %parallel_loop3A_159 = tpu.vector_load_idx %arg9[%parallel_loop3A_158] : memref<20000xf32, #tpu.memory_space<vmem>>[vector<16xi32>], vector<16xf32>,
          %parallel_loop3A_160 = arith.constant 12 : i32
          %parallel_loop3A_161 = vector.broadcast %parallel_loop3A_160 : i32 to vector<16xi32>
          %parallel_loop3A_162 = arith.addi %parallel_loop3A_133, %parallel_loop3A_161 : vector<16xi32>
          %parallel_loop3A_163 = tpu.vector_load_idx %arg9[%parallel_loop3A_162] : memref<20000xf32, #tpu.memory_space<vmem>>[vector<16xi32>], vector<16xf32>,
          %parallel_loop3A_164 = arith.subf %parallel_loop3A_163, %parallel_loop3A_159 : vector<16xf32>
          %parallel_loop3A_165 = arith.mulf %parallel_loop3A_126, %parallel_loop3A_164 : vector<16xf32>
          %parallel_loop3A_166 = arith.addf %parallel_loop3A_159, %parallel_loop3A_165 : vector<16xf32>
          %parallel_loop3A_167 = arith.constant 3 : i32
          %parallel_loop3A_168 = vector.broadcast %parallel_loop3A_167 : i32 to vector<16xi32>
          %parallel_loop3A_169 = arith.addi %parallel_loop3A_133, %parallel_loop3A_168 : vector<16xi32>
          %parallel_loop3A_170 = tpu.vector_load_idx %arg9[%parallel_loop3A_169] : memref<20000xf32, #tpu.memory_space<vmem>>[vector<16xi32>], vector<16xf32>,
          %parallel_loop3A_171 = arith.constant 13 : i32
          %parallel_loop3A_172 = vector.broadcast %parallel_loop3A_171 : i32 to vector<16xi32>
          %parallel_loop3A_173 = arith.addi %parallel_loop3A_133, %parallel_loop3A_172 : vector<16xi32>
          %parallel_loop3A_174 = tpu.vector_load_idx %arg9[%parallel_loop3A_173] : memref<20000xf32, #tpu.memory_space<vmem>>[vector<16xi32>], vector<16xf32>,
          %parallel_loop3A_175 = arith.subf %parallel_loop3A_174, %parallel_loop3A_170 : vector<16xf32>
          %parallel_loop3A_176 = arith.mulf %parallel_loop3A_126, %parallel_loop3A_175 : vector<16xf32>
          %parallel_loop3A_177 = arith.addf %parallel_loop3A_170, %parallel_loop3A_176 : vector<16xf32>
          %parallel_loop3A_178 = arith.constant 4 : i32
          %parallel_loop3A_179 = vector.broadcast %parallel_loop3A_178 : i32 to vector<16xi32>
          %parallel_loop3A_180 = arith.addi %parallel_loop3A_133, %parallel_loop3A_179 : vector<16xi32>
          %parallel_loop3A_181 = tpu.vector_load_idx %arg9[%parallel_loop3A_180] : memref<20000xf32, #tpu.memory_space<vmem>>[vector<16xi32>], vector<16xf32>,
          %parallel_loop3A_182 = arith.constant 14 : i32
          %parallel_loop3A_183 = vector.broadcast %parallel_loop3A_182 : i32 to vector<16xi32>
          %parallel_loop3A_184 = arith.addi %parallel_loop3A_133, %parallel_loop3A_183 : vector<16xi32>
          %parallel_loop3A_185 = tpu.vector_load_idx %arg9[%parallel_loop3A_184] : memref<20000xf32, #tpu.memory_space<vmem>>[vector<16xi32>], vector<16xf32>,
          %parallel_loop3A_186 = arith.subf %parallel_loop3A_185, %parallel_loop3A_181 : vector<16xf32>
          %parallel_loop3A_187 = arith.mulf %parallel_loop3A_126, %parallel_loop3A_186 : vector<16xf32>
          %parallel_loop3A_188 = arith.addf %parallel_loop3A_181, %parallel_loop3A_187 : vector<16xf32>
          %parallel_loop3A_189 = arith.constant 5 : i32
          %parallel_loop3A_190 = vector.broadcast %parallel_loop3A_189 : i32 to vector<16xi32>
          %parallel_loop3A_191 = arith.addi %parallel_loop3A_133, %parallel_loop3A_190 : vector<16xi32>
          %parallel_loop3A_192 = tpu.vector_load_idx %arg9[%parallel_loop3A_191] : memref<20000xf32, #tpu.memory_space<vmem>>[vector<16xi32>], vector<16xf32>,
          %parallel_loop3A_193 = arith.constant 15 : i32
          %parallel_loop3A_194 = vector.broadcast %parallel_loop3A_193 : i32 to vector<16xi32>
          %parallel_loop3A_195 = arith.addi %parallel_loop3A_133, %parallel_loop3A_194 : vector<16xi32>
          %parallel_loop3A_196 = tpu.vector_load_idx %arg9[%parallel_loop3A_195] : memref<20000xf32, #tpu.memory_space<vmem>>[vector<16xi32>], vector<16xf32>,
          %parallel_loop3A_197 = arith.subf %parallel_loop3A_196, %parallel_loop3A_192 : vector<16xf32>
          %parallel_loop3A_198 = arith.mulf %parallel_loop3A_126, %parallel_loop3A_197 : vector<16xf32>
          %parallel_loop3A_199 = arith.addf %parallel_loop3A_192, %parallel_loop3A_198 : vector<16xf32>
          %parallel_loop3A_200 = arith.constant 6 : i32
          %parallel_loop3A_201 = vector.broadcast %parallel_loop3A_200 : i32 to vector<16xi32>
          %parallel_loop3A_202 = arith.addi %parallel_loop3A_133, %parallel_loop3A_201 : vector<16xi32>
          %parallel_loop3A_203 = tpu.vector_load_idx %arg9[%parallel_loop3A_202] : memref<20000xf32, #tpu.memory_space<vmem>>[vector<16xi32>], vector<16xf32>,
          %parallel_loop3A_204 = arith.constant 16 : i32
          %parallel_loop3A_205 = vector.broadcast %parallel_loop3A_204 : i32 to vector<16xi32>
          %parallel_loop3A_206 = arith.addi %parallel_loop3A_133, %parallel_loop3A_205 : vector<16xi32>
          %parallel_loop3A_207 = tpu.vector_load_idx %arg9[%parallel_loop3A_206] : memref<20000xf32, #tpu.memory_space<vmem>>[vector<16xi32>], vector<16xf32>,
          %parallel_loop3A_208 = arith.subf %parallel_loop3A_207, %parallel_loop3A_203 : vector<16xf32>
          %parallel_loop3A_209 = arith.mulf %parallel_loop3A_126, %parallel_loop3A_208 : vector<16xf32>
          %parallel_loop3A_210 = arith.addf %parallel_loop3A_203, %parallel_loop3A_209 : vector<16xf32>
          %parallel_loop3A_211 = arith.constant 7 : i32
          %parallel_loop3A_212 = vector.broadcast %parallel_loop3A_211 : i32 to vector<16xi32>
          %parallel_loop3A_213 = arith.addi %parallel_loop3A_133, %parallel_loop3A_212 : vector<16xi32>
          %parallel_loop3A_214 = tpu.vector_load_idx %arg9[%parallel_loop3A_213] : memref<20000xf32, #tpu.memory_space<vmem>>[vector<16xi32>], vector<16xf32>,
          %parallel_loop3A_215 = arith.constant 17 : i32
          %parallel_loop3A_216 = vector.broadcast %parallel_loop3A_215 : i32 to vector<16xi32>
          %parallel_loop3A_217 = arith.addi %parallel_loop3A_133, %parallel_loop3A_216 : vector<16xi32>
          %parallel_loop3A_218 = tpu.vector_load_idx %arg9[%parallel_loop3A_217] : memref<20000xf32, #tpu.memory_space<vmem>>[vector<16xi32>], vector<16xf32>,
          %parallel_loop3A_219 = arith.subf %parallel_loop3A_218, %parallel_loop3A_214 : vector<16xf32>
          %parallel_loop3A_220 = arith.mulf %parallel_loop3A_126, %parallel_loop3A_219 : vector<16xf32>
          %parallel_loop3A_221 = arith.addf %parallel_loop3A_214, %parallel_loop3A_220 : vector<16xf32>
          %parallel_loop3A_222 = arith.constant 8 : i32
          %parallel_loop3A_223 = vector.broadcast %parallel_loop3A_222 : i32 to vector<16xi32>
          %parallel_loop3A_224 = arith.addi %parallel_loop3A_133, %parallel_loop3A_223 : vector<16xi32>
          %parallel_loop3A_225 = tpu.vector_load_idx %arg9[%parallel_loop3A_224] : memref<20000xf32, #tpu.memory_space<vmem>>[vector<16xi32>], vector<16xf32>,
          %parallel_loop3A_226 = arith.constant 18 : i32
          %parallel_loop3A_227 = vector.broadcast %parallel_loop3A_226 : i32 to vector<16xi32>
          %parallel_loop3A_228 = arith.addi %parallel_loop3A_133, %parallel_loop3A_227 : vector<16xi32>
          %parallel_loop3A_229 = tpu.vector_load_idx %arg9[%parallel_loop3A_228] : memref<20000xf32, #tpu.memory_space<vmem>>[vector<16xi32>], vector<16xf32>,
          %parallel_loop3A_230 = arith.subf %parallel_loop3A_229, %parallel_loop3A_225 : vector<16xf32>
          %parallel_loop3A_231 = arith.mulf %parallel_loop3A_126, %parallel_loop3A_230 : vector<16xf32>
          %parallel_loop3A_232 = arith.addf %parallel_loop3A_225, %parallel_loop3A_231 : vector<16xf32>
          %parallel_loop3A_233 = arith.constant 9 : i32
          %parallel_loop3A_234 = vector.broadcast %parallel_loop3A_233 : i32 to vector<16xi32>
          %parallel_loop3A_235 = arith.addi %parallel_loop3A_133, %parallel_loop3A_234 : vector<16xi32>
          %parallel_loop3A_236 = tpu.vector_load_idx %arg9[%parallel_loop3A_235] : memref<20000xf32, #tpu.memory_space<vmem>>[vector<16xi32>], vector<16xf32>,
          %parallel_loop3A_237 = arith.constant 19 : i32
          %parallel_loop3A_238 = vector.broadcast %parallel_loop3A_237 : i32 to vector<16xi32>
          %parallel_loop3A_239 = arith.addi %parallel_loop3A_133, %parallel_loop3A_238 : vector<16xi32>
          %parallel_loop3A_240 = tpu.vector_load_idx %arg9[%parallel_loop3A_239] : memref<20000xf32, #tpu.memory_space<vmem>>[vector<16xi32>], vector<16xf32>,
          %parallel_loop3A_241 = arith.subf %parallel_loop3A_240, %parallel_loop3A_236 : vector<16xf32>
          %parallel_loop3A_242 = arith.mulf %parallel_loop3A_126, %parallel_loop3A_241 : vector<16xf32>
          %parallel_loop3A_243 = arith.addf %parallel_loop3A_236, %parallel_loop3A_242 : vector<16xf32>
          %parallel_loop3A_244 = arith.constant 16 : i32
          %parallel_loop3A_245 = arith.muli %parallel_loop3A_106, %parallel_loop3A_244 : i32
          %parallel_loop3A_246 = vector.broadcast %parallel_loop3A_245 : i32 to vector<16xi32>
          %parallel_loop3A_247 = arith.addi %parallel_loop3A_246, %iota3A_28 : vector<16xi32>
          %parallel_loop3A_248 = arith.constant 0 : i32
          %parallel_loop3A_249 = vector.broadcast %parallel_loop3A_248 : i32 to vector<16xi32>
          tpu.vector_store_idx %arg16[%parallel_loop3A_249, %parallel_loop3A_247], %parallel_loop3A_144 : memref<10x1024xf32, #tpu.memory_space<vmem>>[vector<16xi32>, vector<16xi32>], vector<16xf32>,
          %parallel_loop3A_250 = arith.constant 1 : i32
          %parallel_loop3A_251 = vector.broadcast %parallel_loop3A_250 : i32 to vector<16xi32>
          tpu.vector_store_idx %arg16[%parallel_loop3A_251, %parallel_loop3A_247], %parallel_loop3A_155 : memref<10x1024xf32, #tpu.memory_space<vmem>>[vector<16xi32>, vector<16xi32>], vector<16xf32>,
          %parallel_loop3A_252 = arith.constant 2 : i32
          %parallel_loop3A_253 = vector.broadcast %parallel_loop3A_252 : i32 to vector<16xi32>
          tpu.vector_store_idx %arg16[%parallel_loop3A_253, %parallel_loop3A_247], %parallel_loop3A_166 : memref<10x1024xf32, #tpu.memory_space<vmem>>[vector<16xi32>, vector<16xi32>], vector<16xf32>,
          %parallel_loop3A_254 = arith.constant 3 : i32
          %parallel_loop3A_255 = vector.broadcast %parallel_loop3A_254 : i32 to vector<16xi32>
          tpu.vector_store_idx %arg16[%parallel_loop3A_255, %parallel_loop3A_247], %parallel_loop3A_177 : memref<10x1024xf32, #tpu.memory_space<vmem>>[vector<16xi32>, vector<16xi32>], vector<16xf32>,
          %parallel_loop3A_256 = arith.constant 4 : i32
          %parallel_loop3A_257 = vector.broadcast %parallel_loop3A_256 : i32 to vector<16xi32>
          tpu.vector_store_idx %arg16[%parallel_loop3A_257, %parallel_loop3A_247], %parallel_loop3A_188 : memref<10x1024xf32, #tpu.memory_space<vmem>>[vector<16xi32>, vector<16xi32>], vector<16xf32>,
          %parallel_loop3A_258 = arith.constant 5 : i32
          %parallel_loop3A_259 = vector.broadcast %parallel_loop3A_258 : i32 to vector<16xi32>
          tpu.vector_store_idx %arg16[%parallel_loop3A_259, %parallel_loop3A_247], %parallel_loop3A_199 : memref<10x1024xf32, #tpu.memory_space<vmem>>[vector<16xi32>, vector<16xi32>], vector<16xf32>,
          %parallel_loop3A_260 = arith.constant 6 : i32
          %parallel_loop3A_261 = vector.broadcast %parallel_loop3A_260 : i32 to vector<16xi32>
          tpu.vector_store_idx %arg16[%parallel_loop3A_261, %parallel_loop3A_247], %parallel_loop3A_210 : memref<10x1024xf32, #tpu.memory_space<vmem>>[vector<16xi32>, vector<16xi32>], vector<16xf32>,
          %parallel_loop3A_262 = arith.constant 7 : i32
          %parallel_loop3A_263 = vector.broadcast %parallel_loop3A_262 : i32 to vector<16xi32>
          tpu.vector_store_idx %arg16[%parallel_loop3A_263, %parallel_loop3A_247], %parallel_loop3A_221 : memref<10x1024xf32, #tpu.memory_space<vmem>>[vector<16xi32>, vector<16xi32>], vector<16xf32>,
          %parallel_loop3A_264 = arith.constant 8 : i32
          %parallel_loop3A_265 = vector.broadcast %parallel_loop3A_264 : i32 to vector<16xi32>
          tpu.vector_store_idx %arg16[%parallel_loop3A_265, %parallel_loop3A_247], %parallel_loop3A_232 : memref<10x1024xf32, #tpu.memory_space<vmem>>[vector<16xi32>, vector<16xi32>], vector<16xf32>,
          %parallel_loop3A_266 = arith.constant 9 : i32
          %parallel_loop3A_267 = vector.broadcast %parallel_loop3A_266 : i32 to vector<16xi32>
          tpu.vector_store_idx %arg16[%parallel_loop3A_267, %parallel_loop3A_247], %parallel_loop3A_243 : memref<10x1024xf32, #tpu.memory_space<vmem>>[vector<16xi32>, vector<16xi32>], vector<16xf32>,
        } {sc.loop_unroll_factor = 1 : i64, sc.parallel_access}
        %mul3A_99 = arith.constant 1024 : i32
        %mul3A_100 = arith.muli %add3A_74, %mul3A_99 : i32
        %add3A_101 = arith.addi %mul3A_2, %mul3A_100 : i32
        %dma_start3A_102 = arith.constant 0 : i32
        %dma_start3A_103 = tpu.memref_slice %arg7[%dma_start3A_102, %add3A_101] : memref<10x3200000xf32, #tpu.memory_space<hbm>> -> memref<10x1024xf32, #tpu.memory_space<hbm>>
        %dma_start3A_104 = arith.constant 0 : i32
        %dma_start3A_105 = tpu.memref_slice %arg7[%dma_start3A_104, %add3A_101] : memref<10x3200000xf32, #tpu.memory_space<hbm>> -> memref<10x1024xf32, #tpu.memory_space<hbm>>
        tpu.enqueue_dma source(%arg16 : memref<10x1024xf32, #tpu.memory_space<vmem>>) target(%dma_start3A_105 : memref<10x1024xf32, #tpu.memory_space<hbm>>) target_semaphore(%arg24 : memref<!tpu.dma_semaphore, #tpu.memory_space<semaphore_mem>>)
      } else {
      }
    }
    %scan3A_35 = arith.constant 49 : i32
    %dma_wait3A = arith.constant 0 : i32
    %dma_wait3A_36 = arith.constant 0 : i32
    %dma_wait3A_37 = tpu.memref_slice %arg7[%dma_wait3A, %dma_wait3A_36] : memref<10x3200000xf32, #tpu.memory_space<hbm>> -> memref<10x1024xf32, #tpu.memory_space<hbm>>
    %dma_wait3A_38 = arith.constant 0 : i32
    %dma_wait3A_39 = arith.constant 0 : i32
    %dma_wait3A_40 = tpu.memref_slice %arg7[%dma_wait3A_38, %dma_wait3A_39] : memref<10x3200000xf32, #tpu.memory_space<hbm>> -> memref<10x1024xf32, #tpu.memory_space<hbm>>
    tpu.wait_dma2 semaphore(%arg23 : memref<!tpu.dma_semaphore, #tpu.memory_space<semaphore_mem>>) src(%arg15 : memref<10x1024xf32, #tpu.memory_space<vmem>>) dst(%dma_wait3A_40 : memref<10x1024xf32, #tpu.memory_space<hbm>>)
    %dma_wait3A_41 = arith.constant 0 : i32
    %dma_wait3A_42 = arith.constant 0 : i32
    %dma_wait3A_43 = tpu.memref_slice %arg7[%dma_wait3A_41, %dma_wait3A_42] : memref<10x3200000xf32, #tpu.memory_space<hbm>> -> memref<10x1024xf32, #tpu.memory_space<hbm>>
    %dma_wait3A_44 = arith.constant 0 : i32
    %dma_wait3A_45 = arith.constant 0 : i32
    %dma_wait3A_46 = tpu.memref_slice %arg7[%dma_wait3A_44, %dma_wait3A_45] : memref<10x3200000xf32, #tpu.memory_space<hbm>> -> memref<10x1024xf32, #tpu.memory_space<hbm>>
    tpu.wait_dma2 semaphore(%arg24 : memref<!tpu.dma_semaphore, #tpu.memory_space<semaphore_mem>>) src(%arg16 : memref<10x1024xf32, #tpu.memory_space<vmem>>) dst(%dma_wait3A_46 : memref<10x1024xf32, #tpu.memory_space<hbm>>)
    return
  }
}

</mosaic_0001>

<sc_bundles>
// kernel: kernel.3.cloned.1.call-start
scs
__scs_entry_jumppad:
0x0: {  	(pc) =	sbr.rel $0x88, $3  }
0x1: {  	(tag) =	ssettag $0x0;
	lr =	simm.s32 $0x1  }
0x2: {  	[smem:$0x3F9C] =	sst lr;
	_ =	strace $0xD0000000  }
0x3: {  	_ = 	snop  }
0x4: {  	_ = 	snop  }
0x5: {  	_ = 	snop  }
0x6: {  	_ = 	snop  }
0x7: {  	_ = 	snop  }
__scs_overlays_trampoline_lowered:
0x8: {  	[smem:$0x3FAB] =	sst s0  }
0x9: {  	[smem:$0x3FAC] =	sst s1  }
0xa: {  	[smem:$0x3FAD] =	sst s2  }
0xb: {  	[smem:$0x3FAE] =	sst s3  }
0xc: {  	[smem:$0x3FAF] =	sst s4  }
0xd: {  	[smem:$0x3FB0] =	sst s5  }
0xe: {  	[smem:$0x3FB1] =	sst s6  }
0xf: {  	[smem:$0x3FB2] =	sst s7  }
0x10: {  	[smem:$0x3FB3] =	sst s8  }
0x11: {  	[smem:$0x3FB4] =	sst s9;
	s0 =	simm.s32 @!p0 $0x0  }
0x12: {  	s1 =	sld [smem:$0x3F9A];
	s0 =	simm.s32 @p0 $0x1  }
0x13: {  	[smem:$0x3FB5] =	sst s0;
	s0 =	simm.s32 @!p1 $0x0  }
0x14: {  	s2 =	sld [smem:$0x3F99];
	s0 =	simm.s32 @p1 $0x1  }
0x15: {  	[smem:$0x3FB6] =	sst s0;
	s0 =	simm.s32 @!p2 $0x0  }
0x16: {  	s3 =	sld [smem:$0x3FDB];
	s0 =	simm.s32 @p2 $0x1  }
0x17: {  	s4 =	simm.s32 $0x1BF5;
	[smem:$0x3FB8] =	sst s0  }
0x18: {  	s0 =	sld [smem:$0x3F9B];
	_ =	swait.ge [sflag:s4], $0x0  }
0x19: {  	s7 =	sld [smem:$0x3F9C]  }
0x1a: {  	s8 =	sadd.s32 $0xFFFFE003, lr  }
0x1b: {  	s9 =	sadd.s32 $0xFFFFFEF7, lr;
	s5 =	simm.s32 $0xFFFFFFFF;
	p2 =	slt.u32 s8, $0xFFFFF086  }
0x1c: {  	p1 =	slt.u32 s9, $0xF7A;
	s5 =	simm.s32 @!p2 $0x0  }
0x1d: {  	s5 =	simm.s32 @p1 $0x1;
	p0 =	seq.s32 s7, s2  }
0x1e: {  	s7 =	smul.u32 @!p0 $0xF7A, s2;
	p2 =	seq.s32 @!p0 s5, $0x0  }
0x1f: {  	s9 =	smul.u32 $0xF7A, s1;
	s8 =	simm.s32 @!p0 $0x1BF5;
	p2 =	por !p2, p0  }
0x20: {  	[sflag:s8] =	ssyncset.s32 @!p0 $0xFFFFF086;
	s6 =	sadd.s32 @!p0 s3, s7;
	s7 =	simm.s32 @!p0 $0x108  }
0x21: {  	s3 =	sadd.s32 s3, s9;
	s6 =	sadd.s32 @!p0 $0x88, s6;
	s7 =	simm.s32 @p2 $0x1082  }
0x22: {  	[simem:s7], [sflag:s8] =	dma.local @!p0 [hbm:s6], $0xF7A  }
0x23: {  	s9 =	sor.u32 $0xD0000000, s2;
	s6 =	simm.s32 $0x108;
	_ =	swait.ge @!p0 [sflag:s8], $0x0  }
0x24: {  	s3 =	sadd.s32 $0x88, s3;
	s6 =	simm.s32 @!p1 $0x1082;
	[sflag:s4] =	ssyncset.s32 $0xFFFFF086  }
0x25: {  	[simem:s6], [sflag:s4] =	dma.local [hbm:s3], $0xF7A  }
0x26: {  	[smem:$0x3F9C] =	sst s1;
	(tag) =	ssettag s2;
	_ =	strace s9  }
0x27: {  	s1 =	sld [smem:$0x3FAC]  }
0x28: {  	s2 =	sld [smem:$0x3FAD]  }
0x29: {  	s4 =	sld [smem:$0x3FAF]  }
0x2a: {  	p0 =	seq.s32 s5, $0x0;
	s5 =	sld [smem:$0x3FB0]  }
0x2b: {  	s6 =	sld [smem:$0x3FB1]  }
0x2c: {  	s7 =	sld [smem:$0x3FB2]  }
0x2d: {  	s3 =	simm.s32 $0x108;
	s8 =	sld [smem:$0x3FB3]  }
0x2e: {  	s3 =	simm.s32 @!p0 $0x1082;
	s9 =	sld [smem:$0x3FB4]  }
0x2f: {  	lr =	sadd.s32 s0, s3;
	s0 =	sld [smem:$0x3FAB]  }
0x30: {  	s3 =	sld [smem:$0x3FAE]  }
0x31: {  	[smem:$0x3FB7] =	sst s10  }
0x32: {  	s10 =	sld [smem:$0x3FB5];
	_ =	sdelay $0x3  }
0x33: {  	p0 =	seq.s32 s10, $0x1;
	s10 =	sld [smem:$0x3FB7];
	_ =	sdelay $0x3  }
0x34: {  	[smem:$0x3FB7] =	sst s10  }
0x35: {  	s10 =	sld [smem:$0x3FB6];
	_ =	sdelay $0x3  }
0x36: {  	p1 =	seq.s32 s10, $0x1;
	s10 =	sld [smem:$0x3FB7];
	_ =	sdelay $0x3  }
0x37: {  	[smem:$0x3FB7] =	sst s10  }
0x38: {  	s10 =	sld [smem:$0x3FB8]  }
0x39: {  	_ = 	snop;
	(pc) =	sbr.ind lr, $3  }
0x3a: {  	_ = 	snop  }
0x3b: {  	_ = 	snop  }
0x3c: {  	p2 =	seq.s32 s10, $0x1;
	s10 =	sld [smem:$0x3FB7]  }
0x3d: {  	_ =	shalt  }
0x3e: {  	_ =	shalt  }
0x3f: {  	_ =	shalt  }
0x40: {  	_ =	shalt  }
0x41: {  	_ =	shalt  }
0x42: {  	_ =	shalt  }
0x43: {  	_ =	shalt  }
0x44: {  	_ =	shalt  }
0x45: {  	_ =	shalt  }
0x46: {  	_ =	shalt  }
0x47: {  	_ =	shalt  }
0x48: {  	_ =	shalt  }
0x49: {  	_ =	shalt  }
0x4a: {  	_ =	shalt  }
0x4b: {  	_ =	shalt  }
0x4c: {  	_ =	shalt  }
0x4d: {  	_ =	shalt  }
0x4e: {  	_ =	shalt  }
0x4f: {  	_ =	shalt  }
0x50: {  	_ =	shalt  }
0x51: {  	_ =	shalt  }
0x52: {  	_ =	shalt  }
0x53: {  	_ =	shalt  }
0x54: {  	_ =	shalt  }
0x55: {  	_ =	shalt  }
0x56: {  	_ =	shalt  }
0x57: {  	_ =	shalt  }
0x58: {  	_ =	shalt  }
0x59: {  	_ =	shalt  }
0x5a: {  	_ =	shalt  }
0x5b: {  	_ =	shalt  }
0x5c: {  	_ =	shalt  }
0x5d: {  	_ =	shalt  }
0x5e: {  	_ =	shalt  }
0x5f: {  	_ =	shalt  }
0x60: {  	_ =	shalt  }
0x61: {  	_ =	shalt  }
0x62: {  	_ =	shalt  }
0x63: {  	_ =	shalt  }
0x64: {  	_ =	shalt  }
0x65: {  	_ =	shalt  }
0x66: {  	_ =	shalt  }
0x67: {  	_ =	shalt  }
0x68: {  	_ =	shalt  }
0x69: {  	_ =	shalt  }
0x6a: {  	_ =	shalt  }
0x6b: {  	_ =	shalt  }
0x6c: {  	_ =	shalt  }
0x6d: {  	_ =	shalt  }
0x6e: {  	_ =	shalt  }
0x6f: {  	_ =	shalt  }
0x70: {  	_ =	shalt  }
0x71: {  	_ =	shalt  }
0x72: {  	_ =	shalt  }
0x73: {  	_ =	shalt  }
0x74: {  	_ =	shalt  }
0x75: {  	_ =	shalt  }
0x76: {  	_ =	shalt  }
0x77: {  	_ =	shalt  }
0x78: {  	_ =	shalt  }
0x79: {  	_ =	shalt  }
0x7a: {  	_ =	shalt  }
0x7b: {  	_ =	shalt  }
0x7c: {  	_ =	shalt  }
0x7d: {  	_ =	shalt  }
0x7e: {  	_ =	shalt  }
0x7f: {  	_ =	shalt  }
0x80: {  	_ =	shalt  }
0x81: {  	_ =	shalt  }
0x82: {  	_ =	shalt  }
0x83: {  	_ =	shalt  }
0x84: {  	_ =	shalt  }
0x85: {  	_ =	shalt  }
0x86: {  	_ =	shalt  }
0x87: {  	_ =	shalt  }
.Lfunc_end0:
.L_simem_size_0:
called_computation_lowered:
.L_overlay_start_0:
0x88: {  	s2 =	sld [smem:$0x3FD9]  }
0x89: {  	s3 =	sld [smem:$0x3FFE];
	_ =	sdelay $0x1  }
0x8a: {  	s1 =	srdreg.scid  }
0x8b: {  	s0 =	sand.u32 $0x1, s1  }
0x8c: {  	s14 =	sshll.u32 s0, $0xA;
	s2 =	sadd.s32 s3, s2  }
0x8d: {  	s2 =	sadd.s32 s2, s14  }
0x8e: {  	[smem:$0x3FC3] =	sst s2  }
0x8f: {  	_ = 	snop  }
0x90: {  	s2 =	sld [smem:$0x3FD0]  }
0x91: {  	s15 =	sld [smem:$0x3FC9]  }
0x92: {  	s4 =	sld [smem:$0x3FC6]  }
0x93: {  	s6 =	simm.s32 $0xA;
	s7 =	simm.s32 $0x10;
	s5 =	sld [smem:$0x3FC5]  }
0x94: {  	[smem:s7], [sflag:s6] =	dma.local [hbm:s2], $0x1  }
0x95: {  	_ =	swait.eq [sflag:s6], $0x1  }
0x96: {  	[sflag:s6] =	ssyncset.done $0x0  }
0x97: {  	s16 =	sld [smem:$0x10];
	[sflag:s6] =	ssyncadd.s32 $0xFFFFFFFF  }
0x98: {  	s17 =	sld [smem:$0x11];
	(tm) =	ssettm $0x1  }
0x99: {  	s18 =	sld [smem:$0x3FFB];
	_ =	sdelay $0x3  }
0x9a: {  	_ =	strace s18  }
0x9b: {  	s7 =	sld [smem:$0x3FFC];
	_ =	sdelay $0x3  }
0x9c: {  	_ =	strace s7  }
0x9d: {  	s7 =	sld [smem:$0x3FFD];
	_ =	sdelay $0x3  }
0x9e: {  	_ =	strace s7  }
0x9f: {  	_ =	strace $0x8FFFFFFF  }
0xa0: {  	s19 =	sld [smem:$0x3FDB];
	_ =	sdelay $0x1  }
0xa1: {  	s8 =	simm.s32 $_scs_section_size  }
0xa2: {  	s9 =	simm.s32 $_size__tile_overlayer_lowered;
	s10 =	simm.s32 $_tile_overlayer_lowered  }
0xa3: {  	s22 =	simm.s32 $0x1BFF;
	s21 =	sshll.u32 s10, $0x1;
	s7 =	sadd.s32 s8, s19  }
0xa4: {  	s11 =	simm.s32 $0x0;
	s20 =	sshll.u32 s9, $0x1;
	s9 =	sadd.s32 s21, s7  }
0xa5: {  	[timem:s11], [sflag:s22] =	dma.local [hbm:s9], s20  }
0xa6: {  	_ =	swait.ge [sflag:s22], s20  }
0xa7: {  	s8 =	ssub.s32 $0x0, s20;
	[sflag:s22] =	ssyncset.done $0x0  }
0xa8: {  	[sflag:s22] =	ssyncadd.s32 s8;
	_ =	sdelay $0x1  }
0xa9: {  	s23 =	simm.s32 $0x1B8B  }
0xaa: {  	_ =	swait.ge [sflag:s23], $0x1  }
0xab: {  	[sflag:s23] =	ssyncset.done $0x0  }
0xac: {  	s25 =	simm.s32 $0x1B8E;
	s24 =	sld [smem:$0x3FFE];
	[sflag:s23] =	ssyncadd.s32 $0xFFFFFFFF  }
0xad: {  	s26 =	simm.s32 $execute0_lowered;
	[smem:$0x3FD2] =	sst s25  }
0xae: {  	s9 =	sshll.u32 s26, $0x1;
	_ =	strace $0x80000046;
	[dreg:$0x1] =	wrdreg $0xFFFFFFFF  }
0xaf: {  	s28 =	simm.s32 $_size_execute0_lowered;
	s7 =	sadd.s32 s7, s9;
	[dreg:$0x0] =	wrdreg $0x0  }
0xb0: {  	s9 =	sshll.u32 s28, $0x1;
	[dreg:$0x2] =	wrdreg s7  }
0xb1: {  	[dreg:$0x3] =	wrdreg s9  }
0xb2: {  	[dreg:$0x4] =	wrdreg $0xC0  }
0xb3: {  	_ =	task [dreg:s11], $0x5FFFF  }
0xb4: {  	[dreg:$0x1] =	wrdreg $0xFFFFFFFF  }
0xb5: {  	[dreg:$0x0] =	wrdreg $0x60  }
0xb6: {  	[dreg:$0x2] =	wrdreg s15  }
0xb7: {  	[dreg:$0x3] =	wrdreg s17  }
0xb8: {  	[dreg:$0x4] =	wrdreg s24  }
0xb9: {  	[dreg:$0x5] =	wrdreg s4  }
0xba: {  	[dreg:$0x6] =	wrdreg s5  }
0xbb: {  	[dreg:$0x7] =	wrdreg s16  }
0xbc: {  	[dreg:$0x8] =	wrdreg $0x9  }
0xbd: {  	_ =	task.clear_ibuf [dreg:s11], $0x9FFFF;
	_ =	strace $0x90000046  }
0xbe: {  	s29 =	simm.s32 $0x9;
	_ =	strace $0x80000048  }
0xbf: {  	_ =	swait.ge [sflag:s29], $0x1  }
0xc0: {  	[sflag:s29] =	ssyncadd.s32 $0xFFFFFFFF  }
0xc1: {  	_ =	strace $0x90000048  }
0xc2: {  	_ =	sfence  }
0xc3: {  	s30 =	sld [smem:$0x0];
	_ =	sdelay $0x2  }
0xc4: {  	s31 =	sshll.u32 s1, $0xD;
	s1 =	sshrl.u32 s1, $0x2  }
0xc5: {  	s3 =	sand.u32 $0x4000, s31;
	s1 =	sadd.s32 s1, s30  }
0xc6: {  	s0 =	sor.u32 s3, s0;
	s1 =	sshll.u32 s1, $0x11  }
0xc7: {  	s0 =	sor.u32 s1, s0  }
0xc8: {  	s0 =	sadd.s32 $0x8F2B, s0  }
0xc9: {  	[sflag:s0] =	ssyncadd.remote.s32 $0x1  }
0xca: {  	_ =	sfence.sel $0xFFFF  }
0xcb: {  	[dreg:$0x0] =	wrdreg $0xFFFFFFFF;
	(pc) =	sbr.abs _section_cstart, $3  }
0xcc: {  	[dreg:$0x1] =	wrdreg $0xFFFFFFFF  }
0xcd: {  	_ =	task.clear_ibuf [dreg:s11], $0x2FFFF;
	_ =	strace $0x9FFFFFFF  }
0xce: {  	(tm) =	ssettm $0x7FFFFFFF  }
0xcf: {  	_ =	shalt  }
tec
execute0_lowered:
.L_overlay_start_1:
0x0: {  	(tag) =	ssettag $0x1  }
0x1: {  	s0 =	rddreg [dreg:$0x0]  }
0x2: {  	s1 =	rddreg [dreg:$0x2]  }
0x3: {  	s3 =	rddreg [dreg:$0x3]  }
0x4: {  	s2 =	rddreg [dreg:$0x4];
	s4 =	srdreg.scid  }
0x5: {  	s6 =	stileid.u32;
	s5 =	rddreg [dreg:$0x5]  }
0x6: {  	s12 =	simm.s32 $0x57;
	s19 =	simm.s32 $0x4E80;
	s20 =	simm.s32 $0xEB80  }
0x7: {  	s21 =	simm.s32 $0x7;
	s28 =	simm.s32 $0x186A000;
	s29 =	simm.s32 $0x2  }
0x8: {  	s30 =	simm.s32 $0x4;
	s4 =	sand.u32 $0x1, s4;
	s7 =	sshll.u32 s6, $0x1  }
0x9: {  	s31 =	simm.s32 $0x9F00;
	s6 =	simm.s32 $0x0;
	s8 =	sor.u32 s4, s7  }
0xa: {  	s10 =	sadd.s32 $0x800, s1;
	[smem:$0x7FF] =	sst s6;
	s9 =	smul.u32 $0x640, s8  }
0xb: {  	s4 =	ssub.s32 $0x2, s4;
	_ =	strace $0x80000047;
	s7 =	smul.u32 $0x18800, s8  }
0xc: {  	[dreg:$0x7] =	wrdreg s10;
	s22 =	sshrl.u32 s4, $0x1;
	s11 =	smul.u32 $0x190, s8  }
0xd: {  	p0 =	seq.s32 s8, $0x1F;
	s15 =	smul.u32 $0xC4000, s8;
	s4 =	ssub.s32 s4, s22  }
0xe: {  	s12 =	simm.s32 @!p0 $0x62;
	s22 =	simm.s32 $0x5;
	s1 =	sadd.s32 s9, s1  }
0xf: {  	s23 =	sshrl.u32 s7, $0x3;
	s26 =	sadd.s32 s2, s11;
	s2 =	sadd.s32 $0x3070, s2  }
.Ltmp0:
0x10: {  	s16 =	smax.u32 s4, $0x1;
	s4 =	simm.s32 $0x6;
	(pc) =	sbr.rel .LBB2_1-.Ltmp0, $4  }
0x11: {  	s24 =	sadd.s32 s0, s23;
	s25 =	sadd.s32 s3, s23;
	[dreg:$0xa] =	wrdreg s26  }
0x12: {  	[dreg:$0xb] =	wrdreg s2;
	s14 =	sadd.s32 $0xA00, s1;
	s23 =	simm.s32 $0x1  }
0x13: {  	s26 =	simm.s32 $0x2000;
	s2 =	simm.s32 $0x0;
	[dreg:$0x8] =	wrdreg s24  }
0x14: {  	v0 =	vlaneseq.u32;
	[dreg:$0x9] =	wrdreg s25;
	s24 =	simm.s32 $0x3;
	s25 =	simm.s32 $0x5F00  }
.LBB2_14:
0x15: {  	s2 =	sadd.s32 $0x1, s2  }
0x16: {  	_ =	swait.ge [sflag:s22], $0x4000;
	p1 =	sne.s32 s2, s16  }
.Ltmp1:
0x17: {  	[sflag:s22] =	ssyncset.done $0x0;
	(pc) =	sbr.rel @!p1 .LBB2_15-.Ltmp1, $4  }
0x18: {  	[sflag:s22] =	ssyncadd.s32 $0xFFFFC000  }
0x19: {  	_ =	swait.ge [sflag:s4], $0x4000  }
0x1a: {  	[sflag:s4] =	ssyncset.done $0x0  }
0x1b: {  	[sflag:s4] =	ssyncadd.s32 $0xFFFFC000  }
.LBB2_1:
0x1c: {  	s1 =	rddreg [dreg:$0x8];
	s8 =	simm.s32 $0x4F00  }
0x1d: {  	[tilespmem:s8], [sflag:$0x1] =	stream.linear.gather [hbm4b:s1+s6], $0x400, $0x38;
	[tilespmem:$0x11D80] =	vst v63  }
0x1e: {  	s9 =	simm.s32 $0x5700;
	s8 =	rddreg [dreg:$0x9]  }
0x1f: {  	[tilespmem:s9], [sflag:$0x3] =	stream.linear.gather [hbm4b:s8+s6], $0x400, $0x38;
	[tilespmem:$0x11D80] =	vst v63  }
0x20: {  	s10 =	rddreg [dreg:$0x1]  }
0x21: {  	[tilespmem:s6], [sflag:$0x5] =	stream.linear.gather [hbm4b:s10+s6], $0x4E80, $0x38;
	[tilespmem:$0x11D80] =	vst v63  }
0x22: {  	s11 =	rddreg [dreg:$0x7]  }
0x23: {  	[tilespmem:s19], [sflag:$0x6] =	stream.linear.gather [hbm4b:s11+s6], $0x80, $0x38;
	[tilespmem:$0x11D80] =	vst v63  }
0x24: {  	s1 =	simm.s32 @p0 $0x0;
	s8 =	simm.s32 @p0 $0xDF00;
	s9 =	rddreg [dreg:$0xb]  }
0x25: {  	[tilespmem:s8], [sflag:$0x4] =	stream.linear.gather @p0 [hbm4b:s9+s1], $0x320, $0x38;
	[tilespmem:$0x11D80] =	vst v63  }
0x26: {  	s1 =	simm.s32 @p0 $0x6  }
0x27: {  	_ =	swait.ge @p0 [sflag:s1], $0x80  }
0x28: {  	[sflag:s1] =	ssyncset.done @p0 $0x0  }
0x29: {  	[sflag:s1] =	ssyncadd.s32 @p0 $0xFFFFFF80;
	s1 =	simm.s32 @p0 $0x4  }
0x2a: {  	_ =	swait.ge @p0 [sflag:s1], $0x320  }
0x2b: {  	s8 =	simm.s32 @!p0 $0xDF00;
	[sflag:s1] =	ssyncset.done @p0 $0x0  }
0x2c: {  	s9 =	rddreg [dreg:$0xa];
	[sflag:s1] =	ssyncadd.s32 @p0 $0xFFFFFCE0;
	s1 =	simm.s32 @!p0 $0x0  }
0x2d: {  	[tilespmem:s8], [sflag:$0x4] =	stream.linear.gather @!p0 [hbm4b:s9+s1], $0xC80, $0x38;
	[tilespmem:$0x11D80] =	vst v63  }
0x2e: {  	s1 =	simm.s32 @!p0 $0x6  }
0x2f: {  	_ =	swait.ge @!p0 [sflag:s1], $0x80  }
0x30: {  	[sflag:s1] =	ssyncset.done @!p0 $0x0  }
0x31: {  	[sflag:s1] =	ssyncadd.s32 @!p0 $0xFFFFFF80;
	s1 =	simm.s32 @!p0 $0x4  }
0x32: {  	_ =	swait.ge @!p0 [sflag:s1], $0xC80  }
0x33: {  	[sflag:s1] =	ssyncset.done @!p0 $0x0  }
0x34: {  	s13 =	simm.s32 $0xDF00;
	[sflag:s1] =	ssyncadd.s32 @!p0 $0xFFFFF380  }
0x35: {  	v1 =	vld [tilespmem:s13+$0x0];
	_ =	sdelay $0x4  }
0x36: {  	s17 =	simm.s32 $0xDF10;
	v1 =	vshll.u32 v1, $0x2  }
0x37: {  	v2 =	vld [tilespmem:s17+$0x0];
	v1 =	vand.u32 $0x4, v1;
	_ =	sdelay $0x1  }
0x38: {  	v3 =	vor.u32 $0x1, v1  }
0x39: {  	v4 =	vmov s6;
	v6 =	vor.u32 $0x2, v1  }
0x3a: {  	v5 =	vor.u32 s6, v0;
	v7 =	vshll.u32 v4, $0x2;
	v11 =	vor.u32 $0x3, v1  }
0x3b: {  	s18 =	simm.s32 $0xDF20;
	v2 =	vshll.u32 v2, $0x2;
	v4 =	vld.idx.msk [tilespmem:v1+s19+$0x0], $0xffff;
	v1 =	vand.u32 $0x7F, v5;
	v5 =	vand.u32 $0x3E00, v7  }
0x3c: {  	v13 =	vld [tilespmem:s18+$0x0];
	v7 =	vand.u32 $0x4, v2;
	v10 =	vor.u32 v1, v5  }
0x3d: {  	v2 =	vld.idx.msk [tilespmem:v3+s19+$0x0], $0xffff;
	v5 =	vor.u32 $0x1, v7;
	v8 =	vor.u32 $0x80, v10  }
0x3e: {  	s8 =	simm.s32 $0x10;
	v1 =	vld.idx.msk [tilespmem:v6+s19+$0x0], $0xffff;
	v9 =	vor.u32 $0x2, v7;
	v6 =	vor.u32 $0x100, v10  }
0x3f: {  	s10 =	simm.s32 $0xDF30;
	s9 =	simm.s32 $0x30;
	v14 =	vmov s8;
	s1 =	simm.s32 $0x20;
	v3 =	vld.idx.msk [tilespmem:v11+s19+$0x0], $0xffff;
	v12 =	vor.u32 $0x3, v7;
	v11 =	vor.u32 $0x180, v10  }
.LBB2_2:
0x40: {  	v15 =	vld [tilespmem:s10+$0x0];
	v16 =	vor.u32 s8, v0;
	v14 =	vshll.u32 v14, $0x2;
	s8 =	smov.u32 s1;
	s1 =	smov.u32 s9;
	p1 =	sne.s32 s9, $0xC70  }
.Ltmp2:
0x41: {  	v13 =	vshll.u32 v13, $0x2;
	v16 =	vand.u32 $0x7F, v16;
	v14 =	vand.u32 $0x3E00, v14;
	[tilespmem:v10+s20+$0x0] =	vst.idx.msk $0xffff, v4;
	v4 =	vld.idx.msk [tilespmem:v7+s19+$0x0], $0xffff;
	(pc) =	sbr.rel @p1 .LBB2_2-.Ltmp2, $4  }
0x42: {  	v7 =	vand.u32 $0x4, v13;
	v10 =	vor.u32 v16, v14;
	[tilespmem:v8+s20+$0x0] =	vst.idx.msk $0xffff, v2;
	v2 =	vld.idx.msk [tilespmem:v5+s19+$0x0], $0xffff  }
0x43: {  	v5 =	vor.u32 $0x1, v7;
	v8 =	vor.u32 $0x80, v10;
	[tilespmem:v6+s20+$0x0] =	vst.idx.msk $0xffff, v1;
	v1 =	vld.idx.msk [tilespmem:v9+s19+$0x0], $0xffff  }
0x44: {  	s9 =	sadd.s32 $0x10, s9;
	v9 =	vor.u32 $0x2, v7;
	v6 =	vor.u32 $0x100, v10;
	[tilespmem:v11+s20+$0x0] =	vst.idx.msk $0xffff, v3;
	v3 =	vld.idx.msk [tilespmem:v12+s19+$0x0], $0xffff  }
0x45: {  	s10 =	sadd.s32 $0x10, s10;
	v14 =	vmov s8;
	v12 =	vor.u32 $0x3, v7;
	v11 =	vor.u32 $0x180, v10;
	v13 =	vmovc v15  }
0x46: {  	_ =	sdelay $0x1  }
0x47: {  	v15 =	vor.u32 s8, v0;
	v14 =	vshll.u32 v14, $0x2;
	v13 =	vshll.u32 v13, $0x2  }
0x48: {  	v15 =	vand.u32 $0x7F, v15;
	v14 =	vand.u32 $0x3E00, v14;
	v13 =	vand.u32 $0x4, v13  }
0x49: {  	v7 =	vld.idx.msk [tilespmem:v7+s19+$0x0], $0xffff;
	v17 =	vmov s1;
	v14 =	vor.u32 v15, v14;
	v51 =	vor.u32 $0x1, v13  }
0x4a: {  	[tilespmem:v10+s20+$0x0] =	vst.idx.msk $0xffff, v4;
	v52 =	vld.idx.msk [tilespmem:v5+s19+$0x0], $0xffff;
	v56 =	vor.u32 s1, v0;
	v53 =	vor.u32 $0x2, v13;
	v16 =	vor.u32 $0x80, v14  }
0x4b: {  	[tilespmem:v8+s20+$0x0] =	vst.idx.msk $0xffff, v2;
	v2 =	vld.idx.msk [tilespmem:v9+s19+$0x0], $0xffff;
	v17 =	vshll.u32 v17, $0x2;
	v55 =	vor.u32 $0x3, v13;
	v54 =	vor.u32 $0x100, v14  }
0x4c: {  	v9 =	vand.u32 $0x7F, v56;
	[tilespmem:v6+s20+$0x0] =	vst.idx.msk $0xffff, v1;
	v1 =	vld.idx.msk [tilespmem:v12+s19+$0x0], $0xffff;
	v58 =	vand.u32 $0x3E00, v17;
	v57 =	vor.u32 $0x180, v14  }
0x4d: {  	[tilespmem:v11+s20+$0x0] =	vst.idx.msk $0xffff, v3;
	v9 =	vor.u32 v9, v58;
	v3 =	vld.idx.msk [tilespmem:v13+s19+$0x0], $0xffff  }
0x4e: {  	v60 =	vor.u32 $0x80, v9;
	[tilespmem:v14+s20+$0x0] =	vst.idx.msk $0xffff, v7;
	v59 =	vld.idx.msk [tilespmem:v51+s19+$0x0], $0xffff  }
0x4f: {  	v62 =	vor.u32 $0x100, v9;
	v61 =	vld.idx.msk [tilespmem:v53+s19+$0x0], $0xffff;
	[tilespmem:v16+s20+$0x0] =	vst.idx.msk $0xffff, v52  }
0x50: {  	v63 =	vor.u32 $0x180, v9;
	[tilespmem:v54+s20+$0x0] =	vst.idx.msk $0xffff, v2;
	v2 =	vld.idx.msk [tilespmem:v55+s19+$0x0], $0xffff  }
0x51: {  	[tilespmem:v57+s20+$0x0] =	vst.idx.msk $0xffff, v1  }
0x52: {  	[tilespmem:v9+s20+$0x0] =	vst.idx.msk $0xffff, v3  }
0x53: {  	[tilespmem:v60+s20+$0x0] =	vst.idx.msk $0xffff, v59  }
0x54: {  	[tilespmem:v62+s20+$0x0] =	vst.idx.msk $0xffff, v61  }
0x55: {  	s1 =	simm.s32 $0x0;
	[tilespmem:v63+s20+$0x0] =	vst.idx.msk $0xffff, v2  }
0x56: {  	[hbm4b:s14+s1] =	stream.linear.scatter [tilespmem:s20], [sflag:$0x7], $0x3200, $0x38;
	[tilespmem:$0x11D80] =	vst v63  }
0x57: {  	_ =	swait.ge [sflag:s21], $0x3200  }
.Ltmp3:
0x58: {  	[sflag:s21] =	ssyncset.done $0x0;
	(pc) =	sbr.rel .LBB2_4-.Ltmp3, $4  }
0x59: {  	[sflag:s21] =	ssyncadd.s32 $0xFFFFCE00  }
0x5a: {  	_ =	swait.ge [sflag:s22], $0x4E80  }
0x5b: {  	[sflag:s22] =	ssyncset.done $0x0  }
0x5c: {  	[sflag:s22] =	ssyncadd.s32 $0xFFFFB180  }
.LBB2_12:
0x5d: {  	_ =	sdelay $0x3  }
0x5e: {  	v34 =	vadd.s32 $0x3, v20;
	v30 =	vor.u32 v30, v31;
	v51 =	vadd.s32 $0x10, v20;
	v35 =	vld.idx.msk [tilespmem:v20+s6+$0x0], $0xffff  }
0x5f: {  	v36 =	vadd.s32 $0x5, v20;
	v37 =	vadd.s32 $0xF, v20;
	v32 =	vld.idx.msk [tilespmem:v32+s6+$0x0], $0xffff;
	v39 =	vadd.s32 $0xB, v20  }
0x60: {  	v40 =	vadd.s32 $0x6, v20;
	v13 =	vsub.f32 v13, v5;
	v33 =	vld.idx.msk [tilespmem:v33+s6+$0x0], $0xffff;
	v25 =	vcvt.s32.f32 v25  }
0x61: {  	v41 =	vadd.s32 $0x7, v20;
	v29 =	vld.idx.msk [tilespmem:v29+s6+$0x0], $0xffff;
	v42 =	vadd.s32 $0x13, v20;
	v44 =	vadd.s32 $0x11, v20  }
0x62: {  	v45 =	vadd.s32 $0x9, v20;
	v22 =	vsub.f32 v22, v2;
	v48 =	vadd.s32 $0x12, v20;
	v17 =	vld.idx.msk [tilespmem:v17+s6+$0x0], $0xffff  }
0x63: {  	v24 =	vsub.f32 v24, v6;
	v10 =	vadd.f32 v28, v10;
	v26 =	vmul.f32 v7, v26;
	v18 =	vld.idx.msk [tilespmem:v18+s6+$0x0], $0xffff  }
0x64: {  	v27 =	vsub.f32 v27, v14;
	v21 =	vmul.f32 v21, v7;
	v11 =	vadd.f32 v19, v11;
	v34 =	vld.idx.msk [tilespmem:v34+s6+$0x0], $0xffff  }
0x65: {  	v55 =	vadd.s32 $0xE, v20;
	v56 =	vmul.f32 v23, v7;
	v4 =	vmul.f32 v4, v7;
	v31 =	vld.idx.msk [tilespmem:v51+s6+$0x0], $0xffff  }
0x66: {  	v38 =	vor.u32 $0x80, v30;
	v43 =	vor.u32 $0x200, v30;
	v47 =	vor.u32 $0x180, v30;
	v52 =	vld.idx.msk [tilespmem:v37+s6+$0x0], $0xffff  }
0x67: {  	v53 =	vor.u32 $0x100, v30;
	v58 =	vor.u32 $0x300, v30;
	v61 =	vor.u32 $0x2000, v30;
	v36 =	vld.idx.msk [tilespmem:v36+s6+$0x0], $0xffff  }
0x68: {  	v24 =	vmul.f32 v24, v7;
	v22 =	vmul.f32 v22, v7;
	v3 =	vadd.f32 v26, v3;
	v42 =	vld.idx.msk [tilespmem:v42+s6+$0x0], $0xffff  }
0x69: {  	v13 =	vmul.f32 v13, v7;
	v12 =	vadd.f32 v21, v12;
	v9 =	vadd.f32 v56, v9;
	v19 =	vld.idx.msk [tilespmem:v45+s6+$0x0], $0xffff  }
0x6a: {  	v54 =	vmul.f32 v27, v7;
	v8 =	vsub.f32 v8, v25;
	v2 =	vadd.f32 v22, v2;
	v60 =	vld.idx.msk [tilespmem:v48+s6+$0x0], $0xffff  }
0x6b: {  	v62 =	vor.u32 $0x2080, v30;
	[tilespmem:v30+s31+$0x0] =	vst.idx.msk $0xffff, v3;
	v3 =	vor.u32 $0x280, v30;
	v37 =	vld.idx.msk [tilespmem:v39+s6+$0x0], $0xffff;
	v17 =	vsub.f32 v17, v35  }
0x6c: {  	v1 =	vadd.f32 v4, v1;
	v59 =	vadd.f32 v24, v6;
	v30 =	vmov s8;
	v49 =	vld.idx.msk [tilespmem:v41+s6+$0x0], $0xffff;
	[tilespmem:v38+s31+$0x0] =	vst.idx.msk $0xffff, v2  }
0x6d: {  	v46 =	vadd.s32 $0x8, v20;
	v50 =	vld.idx.msk [tilespmem:v44+s6+$0x0], $0xffff;
	v39 =	vshll.u32 v30, $0x3;
	[tilespmem:v53+s31+$0x0] =	vst.idx.msk $0xffff, v12;
	v17 =	vmul.f32 v8, v17  }
0x6e: {  	v16 =	vor.u32 $0x380, v16;
	v57 =	vadd.f32 v54, v14;
	v2 =	vld.idx.msk [tilespmem:v15+s6+$0x0], $0xffff;
	v45 =	vand.u32 $0x1C00, v39;
	[tilespmem:v47+s31+$0x0] =	vst.idx.msk $0xffff, v11  }
0x6f: {  	[tilespmem:v43+s31+$0x0] =	vst.idx.msk $0xffff, v59;
	v43 =	vld.idx.msk [tilespmem:v55+s6+$0x0], $0xffff;
	v17 =	vadd.f32 v17, v35;
	v63 =	vsub.f32 v33, v34  }
0x70: {  	v33 =	vadd.f32 v13, v5;
	v38 =	vsub.f32 v42, v19;
	[tilespmem:v3+s31+$0x0] =	vst.idx.msk $0xffff, v10;
	v3 =	vor.u32 s8, v0  }
0x71: {  	v47 =	vld.idx.msk [tilespmem:v40+s6+$0x0], $0xffff;
	v42 =	vsub.f32 v52, v36;
	v6 =	vsub.f32 v37, v32;
	v3 =	vand.u32 $0x7F, v3  }
0x72: {  	v11 =	vld.idx.msk [tilespmem:v46+s6+$0x0], $0xffff;
	v56 =	vsub.f32 v50, v49;
	v10 =	vor.u32 v3, v39;
	v3 =	vor.u32 v3, v45  }
0x73: {  	v48 =	vsub.f32 v29, v2;
	[tilespmem:v58+s31+$0x0] =	vst.idx.msk $0xffff, v33;
	v46 =	vmul.f32 v63, v8;
	v51 =	vor.u32 $0x80, v3  }
0x74: {  	v13 =	vmul.f32 v42, v8;
	v6 =	vmul.f32 v6, v8;
	[tilespmem:v16+s31+$0x0] =	vst.idx.msk $0xffff, v57;
	v53 =	vor.u32 $0x100, v3  }
0x75: {  	v52 =	vor.u32 $0x180, v3;
	v16 =	vmul.f32 v48, v8;
	[tilespmem:v61+s31+$0x0] =	vst.idx.msk $0xffff, v9;
	v5 =	vsub.f32 v43, v18  }
0x76: {  	v54 =	vor.u32 $0x200, v3;
	v6 =	vadd.f32 v6, v32;
	[tilespmem:v62+s31+$0x0] =	vst.idx.msk $0xffff, v1;
	v1 =	vsub.f32 v31, v47  }
0x77: {  	v55 =	vor.u32 $0x280, v3;
	v2 =	vadd.f32 v16, v2;
	v5 =	vmul.f32 v5, v8;
	[tilespmem:v3+s31+$0x0] =	vst.idx.msk $0xffff, v17  }
0x78: {  	v12 =	vsub.f32 v60, v11;
	v57 =	vor.u32 $0x300, v3;
	v14 =	vadd.f32 v46, v34;
	[tilespmem:v51+s31+$0x0] =	vst.idx.msk $0xffff, v6  }
0x79: {  	v58 =	vor.u32 $0x380, v10;
	v1 =	vmul.f32 v1, v8;
	v5 =	vadd.f32 v5, v18;
	[tilespmem:v53+s31+$0x0] =	vst.idx.msk $0xffff, v2  }
0x7a: {  	v59 =	vmul.f32 v56, v8;
	v60 =	vor.u32 $0x2000, v3;
	v2 =	vadd.f32 v13, v36;
	[tilespmem:v52+s31+$0x0] =	vst.idx.msk $0xffff, v14  }
0x7b: {  	v61 =	vmul.f32 v12, v8;
	v3 =	vor.u32 $0x2080, v3;
	v1 =	vadd.f32 v1, v47;
	[tilespmem:v54+s31+$0x0] =	vst.idx.msk $0xffff, v5  }
0x7c: {  	v63 =	vmul.f32 v38, v8;
	v62 =	vadd.f32 v59, v49;
	[tilespmem:v55+s31+$0x0] =	vst.idx.msk $0xffff, v2  }
0x7d: {  	s18 =	sshll.u32 s17, $0xD;
	v2 =	vadd.f32 v61, v11;
	[tilespmem:v57+s31+$0x0] =	vst.idx.msk $0xffff, v1  }
0x7e: {  	s8 =	sadd.s32 s15, s18;
	v1 =	vadd.f32 v63, v19;
	[tilespmem:v58+s31+$0x0] =	vst.idx.msk $0xffff, v62  }
0x7f: {  	s8 =	sshrl.u32 s8, $0x3;
	[tilespmem:v60+s31+$0x0] =	vst.idx.msk $0xffff, v2  }
0x80: {  	s8 =	sadd.s32 s5, s8;
	[tilespmem:v3+s31+$0x0] =	vst.idx.msk $0xffff, v1  }
0x81: {  	[hbm4b:s8+s26] =	stream.strided.scatter [tilespmem:s31], [sflag:$0x6], $0x4000, s28, s26, $0x38;
	[tilespmem:$0x11D80] =	vst v63  }
.LBB2_13:
0x82: {  	s1 =	sadd.s32 $0x1, s1  }
0x83: {  	p1 =	sne.s32 s1, $0x31  }
.Ltmp4:
0x84: {  	_ = 	snop;
	(pc) =	sbr.rel @!p1 .LBB2_14-.Ltmp4, $1  }
0x85: {  	_ =	sdelay $0x3  }
.LBB2_4:
0x86: {  	s17 =	sshllo.u32 s1, $0x1  }
0x87: {  	p1 =	sge.u32 s17, s12  }
0x88: {  	s18 =	sshll.u32 s1, $0x1;
	s8 =	sshll.u32 @!p1 s17, $0xA  }
0x89: {  	p2 =	slt.u32 s18, s12;
	s8 =	sadd.s32 @!p1 s7, s8  }
.Ltmp5:
0x8a: {  	s8 =	sshrl.u32 @!p1 s8, $0x3;
	(pc) =	sbr.rel @!p2 .LBB2_5-.Ltmp5, $4  }
0x8b: {  	s10 =	simm.s32 @!p1 $0x0;
	s11 =	simm.s32 @!p1 $0x5300;
	s9 =	sadd.s32 @!p1 s0, s8  }
0x8c: {  	[tilespmem:s11], [sflag:$0x2] =	stream.linear.gather @!p1 [hbm4b:s9+s10], $0x400, $0x38;
	[tilespmem:$0x11D80] =	vst v63  }
0x8d: {  	s8 =	sadd.s32 @!p1 s3, s8;
	s9 =	simm.s32 @!p1 $0x5B00  }
0x8e: {  	[tilespmem:s9], [sflag:$0x4] =	stream.linear.gather @!p1 [hbm4b:s8+s10], $0x400, $0x38;
	[tilespmem:$0x11D80] =	vst v63  }
0x8f: {  	_ =	swait.ge [sflag:s23], $0x400  }
0x90: {  	[sflag:s23] =	ssyncset.done $0x0  }
0x91: {  	[sflag:s23] =	ssyncadd.s32 $0xFFFFFC00  }
0x92: {  	_ =	swait.ge [sflag:s24], $0x400  }
0x93: {  	p2 =	seq.s32 s1, $0x0;
	[sflag:s24] =	ssyncset.done $0x0  }
0x94: {  	s8 =	simm.s32 @!p2 $0x5;
	[sflag:s24] =	ssyncadd.s32 $0xFFFFFC00  }
0x95: {  	_ =	swait.ge @!p2 [sflag:s8], $0x4000  }
0x96: {  	[sflag:s8] =	ssyncset.done @!p2 $0x0  }
0x97: {  	s9 =	simm.s32 $0x4F00;
	[sflag:s8] =	ssyncadd.s32 @!p2 $0xFFFFC000  }
0x98: {  	v1 =	vld [tilespmem:s9+$0x0];
	_ =	sdelay $0x4  }
0x99: {  	v1 =	vadd.f32 $-1.000000000e+00, v1;
	_ =	sdelay $0x1  }
0x9a: {  	v4 =	vmul.f32 $9.980000300e+01, v1  }
0x9b: {  	s10 =	simm.s32 $0x5700  }
0x9c: {  	v1 =	vld [tilespmem:s10+$0x0];
	v2 =	vtrunc.f32 v4  }
0x9d: {  	v2 =	vcvt.f32.s32 v2;
	_ =	sdelay $0x1  }
0x9e: {  	vm0 =	vlt.s32 v2, $0x1F2  }
0x9f: {  	v5 =	vnsel vm0, $0x1F2, v2  }
0xa0: {  	v1 =	vmul.u32 $0x1388, v1;
	v2 =	vmul.u32 $0xA, v5;
	_ =	sdelay $0x1  }
0xa1: {  	v6 =	vadd.s32 v1, v2  }
0xa2: {  	v1 =	vor.u32 $0x1, v6  }
0xa3: {  	s11 =	simm.s32 $0x4F10;
	v7 =	vadd.s32 $0xD, v6  }
0xa4: {  	v9 =	vld [tilespmem:s11+$0x0];
	s9 =	simm.s32 $0x5710;
	v8 =	vadd.s32 $0xC, v6  }
0xa5: {  	v12 =	vld [tilespmem:s9+$0x0];
	v10 =	vadd.s32 $0x3, v6  }
0xa6: {  	v14 =	vadd.s32 $0xF, v6;
	v3 =	vld.idx.msk [tilespmem:v6+s6+$0x0], $0xffff  }
0xa7: {  	v16 =	vadd.s32 $0x5, v6;
	v2 =	vld.idx.msk [tilespmem:v1+s6+$0x0], $0xffff  }
0xa8: {  	v18 =	vadd.s32 $0x7, v6;
	v15 =	vld.idx.msk [tilespmem:v7+s6+$0x0], $0xffff  }
0xa9: {  	v20 =	vadd.s32 $0xA, v6;
	v17 =	vld.idx.msk [tilespmem:v8+s6+$0x0], $0xffff  }
0xaa: {  	v24 =	vadd.s32 $0x12, v6;
	v11 =	vld.idx.msk [tilespmem:v10+s6+$0x0], $0xffff  }
0xab: {  	v1 =	vadd.s32 $0x13, v6;
	v19 =	vld.idx.msk [tilespmem:v14+s6+$0x0], $0xffff  }
0xac: {  	v7 =	vadd.s32 $0x9, v6;
	v10 =	vld.idx.msk [tilespmem:v16+s6+$0x0], $0xffff  }
0xad: {  	v8 =	vadd.f32 $-1.000000000e+00, v9;
	v9 =	vadd.s32 $0x2, v6;
	v14 =	vld.idx.msk [tilespmem:v18+s6+$0x0], $0xffff  }
0xae: {  	v26 =	vadd.s32 $0x8, v6;
	v33 =	vld.idx.msk [tilespmem:v20+s6+$0x0], $0xffff  }
0xaf: {  	v34 =	vld.idx.msk [tilespmem:v24+s6+$0x0], $0xffff  }
0xb0: {  	v29 =	vmul.u32 $0x1388, v12;
	v5 =	vcvt.s32.f32 v5;
	v8 =	vmul.f32 $9.980000300e+01, v8;
	v21 =	vld.idx.msk [tilespmem:v1+s6+$0x0], $0xffff  }
0xb1: {  	v13 =	vadd.s32 $0x10, v6;
	v22 =	vadd.s32 $0x4, v6;
	v28 =	vadd.s32 $0xE, v6;
	v1 =	vld.idx.msk [tilespmem:v7+s6+$0x0], $0xffff  }
0xb2: {  	s13 =	simm.s32 $0x0;
	v23 =	vadd.s32 $0xB, v6;
	v27 =	vadd.s32 $0x11, v6;
	v7 =	vtrunc.f32 v8;
	v12 =	vld.idx.msk [tilespmem:v9+s6+$0x0], $0xffff  }
0xb3: {  	v16 =	vadd.s32 $0x6, v6;
	v6 =	vmov s13;
	v9 =	vld.idx.msk [tilespmem:v26+s6+$0x0], $0xffff;
	v18 =	vcvt.f32.s32 v7  }
0xb4: {  	v7 =	vsub.f32 v4, v5;
	v5 =	vsub.f32 v15, v11;
	v15 =	vshll.u32 v6, $0x3  }
0xb5: {  	v26 =	vsub.f32 v33, v3;
	v31 =	vand.u32 $0x1C00, v15;
	vm15 =	vlt.s32 v18, $0x1F2  }
0xb6: {  	v24 =	vld.idx.msk [tilespmem:v28+s6+$0x0], $0xffff;
	v25 =	vnsel vm15, $0x1F2, v18;
	v18 =	vsub.f32 v19, v10;
	v19 =	vor.u32 s13, v0  }
0xb7: {  	v6 =	vld.idx.msk [tilespmem:v22+s6+$0x0], $0xffff;
	v4 =	vsub.f32 v21, v1;
	v20 =	vmul.u32 $0xA, v25;
	v30 =	vand.u32 $0x7F, v19  }
0xb8: {  	v22 =	vld.idx.msk [tilespmem:v23+s6+$0x0], $0xffff;
	v19 =	vmul.f32 v5, v7;
	v21 =	vsub.f32 v17, v12;
	v23 =	vsub.f32 v34, v9  }
0xb9: {  	v5 =	vld.idx.msk [tilespmem:v16+s6+$0x0], $0xffff;
	v16 =	vor.u32 v30, v15;
	v28 =	vmul.f32 v18, v7;
	v20 =	vadd.s32 v29, v20  }
0xba: {  	p2 =	sne.s32 s1, $0x0;
	v13 =	vld.idx.msk [tilespmem:v13+s6+$0x0], $0xffff;
	v17 =	vadd.s32 $0xA, v20;
	v32 =	vor.u32 $0x1, v20;
	v15 =	vadd.s32 $0x2, v20  }
0xbb: {  	s8 =	simm.s32 $0x10;
	s11 =	simm.s32 $0x4F20;
	s10 =	simm.s32 $0x20;
	v27 =	vld.idx.msk [tilespmem:v27+s6+$0x0], $0xffff;
	v29 =	vadd.s32 $0xC, v20;
	v33 =	vadd.s32 $0xD, v20;
	v18 =	vadd.s32 $0x4, v20  }
.LBB2_7:
0xbc: {  	p3 =	sne.s32 s10, $0x3F0  }
0xbd: {  	v34 =	vld [tilespmem:s11+$0x0];
	v35 =	vadd.s32 $0x5, v20;
	v36 =	vadd.s32 $0xF, v20;
	s9 =	sadd.s32 $0x10, s9;
	v30 =	vor.u32 v30, v31;
	s13 =	smov.u32 s10;
	s10 =	sadd.s32 $0x10, s10  }
0xbe: {  	v37 =	vadd.s32 $0x3, v20;
	v38 =	vadd.s32 $0x10, v20;
	v31 =	vld [tilespmem:s9+$0x0];
	v39 =	vor.u32 $0x80, v30  }
0xbf: {  	v41 =	vadd.s32 $0xB, v20;
	v42 =	vadd.s32 $0x6, v20;
	v43 =	vsub.f32 v13, v5;
	v40 =	vld.idx.msk [tilespmem:v20+s6+$0x0], $0xffff  }
0xc0: {  	v25 =	vcvt.s32.f32 v25;
	v44 =	vadd.s32 $0x7, v20;
	v45 =	vor.u32 $0x200, v30;
	v32 =	vld.idx.msk [tilespmem:v32+s6+$0x0], $0xffff  }
0xc1: {  	v46 =	vadd.s32 $0x11, v20;
	v47 =	vadd.s32 $0x8, v20;
	v48 =	vor.u32 $0x180, v30;
	v33 =	vld.idx.msk [tilespmem:v33+s6+$0x0], $0xffff  }
0xc2: {  	v49 =	vadd.s32 $0x12, v20;
	v50 =	vadd.s32 $0x9, v20;
	v22 =	vsub.f32 v22, v2;
	v29 =	vld.idx.msk [tilespmem:v29+s6+$0x0], $0xffff  }
0xc3: {  	v51 =	vadd.s32 $0x13, v20;
	v24 =	vsub.f32 v24, v6;
	v28 =	vadd.f32 v28, v10;
	v37 =	vld.idx.msk [tilespmem:v37+s6+$0x0], $0xffff  }
0xc4: {  	v26 =	vmul.f32 v7, v26;
	v20 =	vadd.s32 $0xE, v20;
	v10 =	vsub.f32 v27, v14;
	v13 =	vld.idx.msk [tilespmem:v38+s6+$0x0], $0xffff  }
0xc5: {  	v21 =	vmul.f32 v21, v7;
	v24 =	vmul.f32 v24, v7;
	v27 =	vld.idx.msk [tilespmem:v36+s6+$0x0], $0xffff;
	v36 =	vor.u32 $0x100, v30  }
0xc6: {  	v11 =	vadd.f32 v19, v11;
	v19 =	vmul.f32 v43, v7;
	v43 =	vmul.f32 v10, v7;
	v38 =	vld.idx.msk [tilespmem:v44+s6+$0x0], $0xffff  }
0xc7: {  	v22 =	vmul.f32 v22, v7;
	v21 =	vadd.f32 v21, v12;
	v12 =	vmul.f32 v23, v7;
	v10 =	vld.idx.msk [tilespmem:v35+s6+$0x0], $0xffff  }
0xc8: {  	v16 =	vor.u32 $0x380, v16;
	v26 =	vadd.f32 v26, v3;
	v23 =	vadd.f32 $-1.000000000e+00, v34;
	v3 =	vmovc v40;
	v34 =	vld.idx.msk [tilespmem:v51+s6+$0x0], $0xffff  }
0xc9: {  	v22 =	vadd.f32 v22, v2;
	v14 =	vadd.f32 v43, v14;
	v40 =	vor.u32 $0x300, v30;
	v2 =	vmovc v32;
	v35 =	vld.idx.msk [tilespmem:v50+s6+$0x0], $0xffff  }
0xca: {  	v23 =	vmul.f32 $9.980000300e+01, v23;
	v43 =	vld.idx.msk [tilespmem:v17+s6+$0x0], $0xffff;
	v17 =	vadd.f32 v12, v9;
	[tilespmem:v30+s25+$0x0] =	vst.idx.msk $0xffff, v26;
	v26 =	vor.u32 $0x280, v30  }
0xcb: {  	v24 =	vadd.f32 v24, v6;
	v32 =	vmul.u32 $0x1388, v31;
	v6 =	vld.idx.msk [tilespmem:v18+s6+$0x0], $0xffff;
	[tilespmem:v39+s25+$0x0] =	vst.idx.msk $0xffff, v22;
	v18 =	vor.u32 $0x2000, v30  }
0xcc: {  	v9 =	vtrunc.f32 v23;
	v39 =	vsub.f32 v8, v25;
	v12 =	vld.idx.msk [tilespmem:v15+s6+$0x0], $0xffff;
	[tilespmem:v36+s25+$0x0] =	vst.idx.msk $0xffff, v21;
	v15 =	vor.u32 $0x2080, v30  }
0xcd: {  	v8 =	vcvt.f32.s32 v9;
	v21 =	vsub.f32 v33, v37;
	v36 =	vld.idx.msk [tilespmem:v49+s6+$0x0], $0xffff;
	[tilespmem:v48+s25+$0x0] =	vst.idx.msk $0xffff, v11;
	v11 =	vmov v37  }
0xce: {  	v19 =	vadd.f32 v19, v5;
	v7 =	vmul.f32 v4, v7;
	v22 =	vmov s8;
	v9 =	vld.idx.msk [tilespmem:v47+s6+$0x0], $0xffff;
	[tilespmem:v45+s25+$0x0] =	vst.idx.msk $0xffff, v24  }
0xcf: {  	v33 =	vshll.u32 v22, $0x3;
	vm0 =	vlt.s32 v8, $0x1F2;
	v4 =	vsub.f32 v34, v35;
	v5 =	vld.idx.msk [tilespmem:v42+s6+$0x0], $0xffff;
	[tilespmem:v26+s25+$0x0] =	vst.idx.msk $0xffff, v28  }
0xd0: {  	v27 =	vsub.f32 v27, v10;
	v25 =	vnsel vm0, $0x1F2, v8;
	v8 =	vor.u32 s8, v0;
	s8 =	smov.u32 s13;
	v22 =	vld.idx.msk [tilespmem:v41+s6+$0x0], $0xffff;
	[tilespmem:v40+s25+$0x0] =	vst.idx.msk $0xffff, v19  }
0xd1: {  	v31 =	vand.u32 $0x1C00, v33;
	v26 =	vmul.u32 $0xA, v25;
	v30 =	vand.u32 $0x7F, v8;
	v24 =	vld.idx.msk [tilespmem:v20+s6+$0x0], $0xffff;
	[tilespmem:v16+s25+$0x0] =	vst.idx.msk $0xffff, v14;
	v14 =	vmovc v38  }
.Ltmp6:
0xd2: {  	v28 =	vadd.f32 v7, v1;
	v1 =	vmovc v35;
	v19 =	vmul.f32 v21, v39;
	v16 =	vor.u32 v30, v33;
	(pc) =	sbr.rel @p3 .LBB2_7-.Ltmp6, $4  }
0xd3: {  	v20 =	vadd.s32 v32, v26;
	v21 =	vsub.f32 v29, v12;
	v8 =	vmov v23;
	[tilespmem:v18+s25+$0x0] =	vst.idx.msk $0xffff, v17  }
0xd4: {  	v7 =	vmovc v39;
	v26 =	vsub.f32 v43, v3;
	v32 =	vor.u32 $0x1, v20;
	v17 =	vadd.s32 $0xA, v20;
	[tilespmem:v15+s25+$0x0] =	vst.idx.msk $0xffff, v28  }
0xd5: {  	v29 =	vadd.s32 $0xC, v20;
	v15 =	vadd.s32 $0x2, v20;
	v28 =	vmul.f32 v27, v7;
	v27 =	vld.idx.msk [tilespmem:v46+s6+$0x0], $0xffff  }
0xd6: {  	s11 =	sadd.s32 $0x10, s11;
	v33 =	vadd.s32 $0xD, v20;
	v18 =	vadd.s32 $0x4, v20;
	v23 =	vsub.f32 v36, v9  }
0xd7: {  	_ =	sdelay $0x3  }
0xd8: {  	v34 =	vadd.s32 $0x3, v20;
	v30 =	vor.u32 v30, v31;
	v51 =	vadd.s32 $0x10, v20;
	v35 =	vld.idx.msk [tilespmem:v20+s6+$0x0], $0xffff  }
0xd9: {  	v36 =	vadd.s32 $0x5, v20;
	v37 =	vadd.s32 $0xF, v20;
	v32 =	vld.idx.msk [tilespmem:v32+s6+$0x0], $0xffff;
	v39 =	vadd.s32 $0xB, v20  }
0xda: {  	v40 =	vadd.s32 $0x6, v20;
	v13 =	vsub.f32 v13, v5;
	v33 =	vld.idx.msk [tilespmem:v33+s6+$0x0], $0xffff;
	v25 =	vcvt.s32.f32 v25  }
0xdb: {  	v41 =	vadd.s32 $0x7, v20;
	v29 =	vld.idx.msk [tilespmem:v29+s6+$0x0], $0xffff;
	v42 =	vadd.s32 $0x13, v20;
	v44 =	vadd.s32 $0x11, v20  }
0xdc: {  	v45 =	vadd.s32 $0x9, v20;
	v22 =	vsub.f32 v22, v2;
	v48 =	vadd.s32 $0x12, v20;
	v17 =	vld.idx.msk [tilespmem:v17+s6+$0x0], $0xffff  }
0xdd: {  	v24 =	vsub.f32 v24, v6;
	v10 =	vadd.f32 v28, v10;
	v26 =	vmul.f32 v7, v26;
	v18 =	vld.idx.msk [tilespmem:v18+s6+$0x0], $0xffff  }
0xde: {  	v21 =	vmul.f32 v21, v7;
	v11 =	vadd.f32 v19, v11;
	v55 =	vadd.s32 $0xE, v20;
	v34 =	vld.idx.msk [tilespmem:v34+s6+$0x0], $0xffff  }
0xdf: {  	v4 =	vmul.f32 v4, v7;
	v38 =	vor.u32 $0x80, v30;
	v43 =	vor.u32 $0x200, v30;
	v31 =	vld.idx.msk [tilespmem:v51+s6+$0x0], $0xffff  }
0xe0: {  	v47 =	vor.u32 $0x180, v30;
	v53 =	vor.u32 $0x100, v30;
	v56 =	vmul.f32 v23, v7;
	v52 =	vld.idx.msk [tilespmem:v37+s6+$0x0], $0xffff  }
0xe1: {  	v58 =	vor.u32 $0x300, v30;
	v61 =	vor.u32 $0x2000, v30;
	v3 =	vadd.f32 v26, v3;
	v36 =	vld.idx.msk [tilespmem:v36+s6+$0x0], $0xffff  }
0xe2: {  	v22 =	vmul.f32 v22, v7;
	v12 =	vadd.f32 v21, v12;
	v8 =	vsub.f32 v8, v25;
	v42 =	vld.idx.msk [tilespmem:v42+s6+$0x0], $0xffff  }
0xe3: {  	v24 =	vmul.f32 v24, v7;
	v1 =	vadd.f32 v4, v1;
	v27 =	vsub.f32 v27, v14;
	v19 =	vld.idx.msk [tilespmem:v45+s6+$0x0], $0xffff  }
0xe4: {  	v13 =	vmul.f32 v13, v7;
	v9 =	vadd.f32 v56, v9;
	v2 =	vadd.f32 v22, v2;
	v60 =	vld.idx.msk [tilespmem:v48+s6+$0x0], $0xffff  }
0xe5: {  	v62 =	vor.u32 $0x2080, v30;
	[tilespmem:v30+s25+$0x0] =	vst.idx.msk $0xffff, v3;
	v3 =	vor.u32 $0x280, v30;
	v37 =	vld.idx.msk [tilespmem:v39+s6+$0x0], $0xffff;
	v17 =	vsub.f32 v17, v35  }
0xe6: {  	v59 =	vadd.f32 v24, v6;
	v54 =	vmul.f32 v27, v7;
	v30 =	vmov s8;
	v49 =	vld.idx.msk [tilespmem:v41+s6+$0x0], $0xffff;
	[tilespmem:v38+s25+$0x0] =	vst.idx.msk $0xffff, v2  }
0xe7: {  	v46 =	vadd.s32 $0x8, v20;
	v50 =	vld.idx.msk [tilespmem:v44+s6+$0x0], $0xffff;
	v39 =	vshll.u32 v30, $0x3;
	[tilespmem:v53+s25+$0x0] =	vst.idx.msk $0xffff, v12;
	v17 =	vmul.f32 v8, v17  }
0xe8: {  	v16 =	vor.u32 $0x380, v16;
	v2 =	vld.idx.msk [tilespmem:v15+s6+$0x0], $0xffff;
	v57 =	vadd.f32 v54, v14;
	v45 =	vand.u32 $0x1C00, v39;
	[tilespmem:v47+s25+$0x0] =	vst.idx.msk $0xffff, v11  }
0xe9: {  	[tilespmem:v43+s25+$0x0] =	vst.idx.msk $0xffff, v59;
	v43 =	vld.idx.msk [tilespmem:v55+s6+$0x0], $0xffff;
	v17 =	vadd.f32 v17, v35;
	v63 =	vsub.f32 v33, v34  }
0xea: {  	v33 =	vadd.f32 v13, v5;
	v38 =	vsub.f32 v42, v19;
	[tilespmem:v3+s25+$0x0] =	vst.idx.msk $0xffff, v10;
	v3 =	vor.u32 s8, v0  }
0xeb: {  	v47 =	vld.idx.msk [tilespmem:v40+s6+$0x0], $0xffff;
	v42 =	vsub.f32 v52, v36;
	v6 =	vsub.f32 v37, v32;
	v3 =	vand.u32 $0x7F, v3  }
0xec: {  	v11 =	vld.idx.msk [tilespmem:v46+s6+$0x0], $0xffff;
	v56 =	vsub.f32 v50, v49;
	v10 =	vor.u32 v3, v39;
	v3 =	vor.u32 v3, v45  }
0xed: {  	v48 =	vsub.f32 v29, v2;
	[tilespmem:v58+s25+$0x0] =	vst.idx.msk $0xffff, v33;
	v46 =	vmul.f32 v63, v8;
	v51 =	vor.u32 $0x80, v3  }
0xee: {  	v13 =	vmul.f32 v42, v8;
	v6 =	vmul.f32 v6, v8;
	[tilespmem:v16+s25+$0x0] =	vst.idx.msk $0xffff, v57;
	v53 =	vor.u32 $0x100, v3  }
0xef: {  	v52 =	vor.u32 $0x180, v3;
	v16 =	vmul.f32 v48, v8;
	[tilespmem:v61+s25+$0x0] =	vst.idx.msk $0xffff, v9;
	v5 =	vsub.f32 v43, v18  }
0xf0: {  	v54 =	vor.u32 $0x200, v3;
	v6 =	vadd.f32 v6, v32;
	[tilespmem:v62+s25+$0x0] =	vst.idx.msk $0xffff, v1;
	v1 =	vsub.f32 v31, v47  }
0xf1: {  	v55 =	vor.u32 $0x280, v3;
	v2 =	vadd.f32 v16, v2;
	v5 =	vmul.f32 v5, v8;
	[tilespmem:v3+s25+$0x0] =	vst.idx.msk $0xffff, v17  }
0xf2: {  	v12 =	vsub.f32 v60, v11;
	v57 =	vor.u32 $0x300, v3;
	v14 =	vadd.f32 v46, v34;
	[tilespmem:v51+s25+$0x0] =	vst.idx.msk $0xffff, v6  }
0xf3: {  	v58 =	vor.u32 $0x380, v10;
	v1 =	vmul.f32 v1, v8;
	v5 =	vadd.f32 v5, v18;
	[tilespmem:v53+s25+$0x0] =	vst.idx.msk $0xffff, v2  }
0xf4: {  	v59 =	vmul.f32 v56, v8;
	v60 =	vor.u32 $0x2000, v3;
	v2 =	vadd.f32 v13, v36;
	[tilespmem:v52+s25+$0x0] =	vst.idx.msk $0xffff, v14  }
0xf5: {  	v61 =	vmul.f32 v12, v8;
	v3 =	vor.u32 $0x2080, v3;
	v1 =	vadd.f32 v1, v47;
	[tilespmem:v54+s25+$0x0] =	vst.idx.msk $0xffff, v5  }
0xf6: {  	v63 =	vmul.f32 v38, v8;
	v62 =	vadd.f32 v59, v49;
	[tilespmem:v55+s25+$0x0] =	vst.idx.msk $0xffff, v2  }
.Ltmp7:
0xf7: {  	s13 =	sshll.u32 s1, $0xE;
	v2 =	vadd.f32 v61, v11;
	[tilespmem:v57+s25+$0x0] =	vst.idx.msk $0xffff, v1;
	(pc) =	sbr.rel .LBB2_9-.Ltmp7, $4  }
0xf8: {  	s8 =	sadd.s32 s15, s13;
	v1 =	vadd.f32 v63, v19;
	[tilespmem:v58+s25+$0x0] =	vst.idx.msk $0xffff, v62  }
0xf9: {  	s8 =	sshrl.u32 s8, $0x3;
	[tilespmem:v60+s25+$0x0] =	vst.idx.msk $0xffff, v2  }
0xfa: {  	s8 =	sadd.s32 s5, s8;
	[tilespmem:v3+s25+$0x0] =	vst.idx.msk $0xffff, v1  }
0xfb: {  	[hbm4b:s8+s26] =	stream.strided.scatter [tilespmem:s25], [sflag:$0x5], $0x4000, s28, s26, $0x38;
	[tilespmem:$0x11D80] =	vst v63  }
.LBB2_5:
0xfc: {  	p2 =	sne.s32 s1, $0x0  }
.LBB2_9:
0xfd: {  	s8 =	sadd.s32 $0x2, s18  }
0xfe: {  	p3 =	sge.u32 s8, s12  }
0xff: {  	s8 =	sshll.u32 @!p3 s8, $0xA  }
0x100: {  	s8 =	sadd.s32 @!p3 s7, s8  }
.Ltmp8:
0x101: {  	s8 =	sshrl.u32 @!p3 s8, $0x3;
	(pc) =	sbr.rel @p1 .LBB2_13-.Ltmp8, $4  }
0x102: {  	s10 =	simm.s32 @!p3 $0x0;
	s11 =	simm.s32 @!p3 $0x4F00;
	s9 =	sadd.s32 @!p3 s0, s8  }
0x103: {  	[tilespmem:s11], [sflag:$0x1] =	stream.linear.gather @!p3 [hbm4b:s9+s10], $0x400, $0x38;
	[tilespmem:$0x11D80] =	vst v63  }
0x104: {  	s8 =	sadd.s32 @!p3 s3, s8;
	s9 =	simm.s32 @!p3 $0x5700  }
0x105: {  	[tilespmem:s9], [sflag:$0x3] =	stream.linear.gather @!p3 [hbm4b:s8+s10], $0x400, $0x38;
	[tilespmem:$0x11D80] =	vst v63  }
0x106: {  	_ =	swait.ge [sflag:s29], $0x400  }
0x107: {  	[sflag:s29] =	ssyncset.done $0x0  }
0x108: {  	[sflag:s29] =	ssyncadd.s32 $0xFFFFFC00  }
0x109: {  	_ =	swait.ge [sflag:s30], $0x400  }
0x10a: {  	[sflag:s30] =	ssyncset.done $0x0  }
0x10b: {  	s8 =	simm.s32 @p2 $0x6;
	[sflag:s30] =	ssyncadd.s32 $0xFFFFFC00  }
0x10c: {  	_ =	swait.ge @p2 [sflag:s8], $0x4000  }
0x10d: {  	[sflag:s8] =	ssyncset.done @p2 $0x0  }
0x10e: {  	s10 =	simm.s32 $0x5300;
	[sflag:s8] =	ssyncadd.s32 @p2 $0xFFFFC000  }
0x10f: {  	v1 =	vld [tilespmem:s10+$0x0];
	_ =	sdelay $0x4  }
0x110: {  	v1 =	vadd.f32 $-1.000000000e+00, v1;
	_ =	sdelay $0x1  }
0x111: {  	v4 =	vmul.f32 $9.980000300e+01, v1  }
0x112: {  	s11 =	simm.s32 $0x5B00  }
0x113: {  	v1 =	vld [tilespmem:s11+$0x0];
	v2 =	vtrunc.f32 v4  }
0x114: {  	v2 =	vcvt.f32.s32 v2;
	_ =	sdelay $0x1  }
0x115: {  	vm0 =	vlt.s32 v2, $0x1F2  }
0x116: {  	v5 =	vnsel vm0, $0x1F2, v2  }
0x117: {  	v1 =	vmul.u32 $0x1388, v1;
	v2 =	vmul.u32 $0xA, v5;
	_ =	sdelay $0x1  }
0x118: {  	v6 =	vadd.s32 v1, v2  }
0x119: {  	v1 =	vor.u32 $0x1, v6  }
0x11a: {  	s13 =	simm.s32 $0x5310;
	v7 =	vadd.s32 $0xD, v6  }
0x11b: {  	s9 =	simm.s32 $0x5B10;
	v9 =	vld [tilespmem:s13+$0x0];
	v8 =	vadd.s32 $0xC, v6  }
0x11c: {  	v12 =	vld [tilespmem:s9+$0x0];
	v10 =	vadd.s32 $0x3, v6  }
0x11d: {  	v14 =	vadd.s32 $0xF, v6;
	v3 =	vld.idx.msk [tilespmem:v6+s6+$0x0], $0xffff  }
0x11e: {  	v16 =	vadd.s32 $0x5, v6;
	v2 =	vld.idx.msk [tilespmem:v1+s6+$0x0], $0xffff  }
0x11f: {  	v18 =	vadd.s32 $0x7, v6;
	v15 =	vld.idx.msk [tilespmem:v7+s6+$0x0], $0xffff  }
0x120: {  	v20 =	vadd.s32 $0xA, v6;
	v17 =	vld.idx.msk [tilespmem:v8+s6+$0x0], $0xffff  }
0x121: {  	v24 =	vadd.s32 $0x12, v6;
	v11 =	vld.idx.msk [tilespmem:v10+s6+$0x0], $0xffff  }
0x122: {  	v1 =	vadd.s32 $0x13, v6;
	v19 =	vld.idx.msk [tilespmem:v14+s6+$0x0], $0xffff  }
0x123: {  	v7 =	vadd.s32 $0x9, v6;
	v10 =	vld.idx.msk [tilespmem:v16+s6+$0x0], $0xffff  }
0x124: {  	v8 =	vadd.f32 $-1.000000000e+00, v9;
	v9 =	vadd.s32 $0x2, v6;
	v14 =	vld.idx.msk [tilespmem:v18+s6+$0x0], $0xffff  }
0x125: {  	v26 =	vadd.s32 $0x8, v6;
	v33 =	vld.idx.msk [tilespmem:v20+s6+$0x0], $0xffff  }
0x126: {  	v34 =	vld.idx.msk [tilespmem:v24+s6+$0x0], $0xffff  }
0x127: {  	v29 =	vmul.u32 $0x1388, v12;
	v5 =	vcvt.s32.f32 v5;
	v8 =	vmul.f32 $9.980000300e+01, v8;
	v21 =	vld.idx.msk [tilespmem:v1+s6+$0x0], $0xffff  }
0x128: {  	v13 =	vadd.s32 $0x10, v6;
	v22 =	vadd.s32 $0x4, v6;
	v28 =	vadd.s32 $0xE, v6;
	v1 =	vld.idx.msk [tilespmem:v7+s6+$0x0], $0xffff  }
0x129: {  	s18 =	simm.s32 $0x0;
	v23 =	vadd.s32 $0xB, v6;
	v27 =	vadd.s32 $0x11, v6;
	v7 =	vtrunc.f32 v8;
	v12 =	vld.idx.msk [tilespmem:v9+s6+$0x0], $0xffff  }
0x12a: {  	v16 =	vadd.s32 $0x6, v6;
	v6 =	vmov s18;
	v9 =	vld.idx.msk [tilespmem:v26+s6+$0x0], $0xffff;
	v18 =	vcvt.f32.s32 v7  }
0x12b: {  	v7 =	vsub.f32 v4, v5;
	v5 =	vsub.f32 v15, v11;
	v15 =	vshll.u32 v6, $0x3  }
0x12c: {  	v26 =	vsub.f32 v33, v3;
	v31 =	vand.u32 $0x1C00, v15;
	vm15 =	vlt.s32 v18, $0x1F2  }
0x12d: {  	v24 =	vld.idx.msk [tilespmem:v28+s6+$0x0], $0xffff;
	v25 =	vnsel vm15, $0x1F2, v18;
	v18 =	vsub.f32 v19, v10;
	v19 =	vor.u32 s18, v0  }
0x12e: {  	v6 =	vld.idx.msk [tilespmem:v22+s6+$0x0], $0xffff;
	v4 =	vsub.f32 v21, v1;
	v20 =	vmul.u32 $0xA, v25;
	v30 =	vand.u32 $0x7F, v19  }
0x12f: {  	v22 =	vld.idx.msk [tilespmem:v23+s6+$0x0], $0xffff;
	v19 =	vmul.f32 v5, v7;
	v21 =	vsub.f32 v17, v12;
	v23 =	vsub.f32 v34, v9  }
0x130: {  	v5 =	vld.idx.msk [tilespmem:v16+s6+$0x0], $0xffff;
	v16 =	vor.u32 v30, v15;
	v28 =	vmul.f32 v18, v7;
	v20 =	vadd.s32 v29, v20  }
0x131: {  	v13 =	vld.idx.msk [tilespmem:v13+s6+$0x0], $0xffff;
	v17 =	vadd.s32 $0xA, v20;
	v32 =	vor.u32 $0x1, v20;
	v15 =	vadd.s32 $0x2, v20  }
0x132: {  	s8 =	simm.s32 $0x10;
	s10 =	simm.s32 $0x20;
	s11 =	simm.s32 $0x5320;
	v27 =	vld.idx.msk [tilespmem:v27+s6+$0x0], $0xffff;
	v29 =	vadd.s32 $0xC, v20;
	v33 =	vadd.s32 $0xD, v20;
	v18 =	vadd.s32 $0x4, v20  }
.LBB2_11:
0x133: {  	p1 =	sne.s32 s10, $0x3F0  }
0x134: {  	v34 =	vld [tilespmem:s11+$0x0];
	v35 =	vadd.s32 $0x5, v20;
	v36 =	vadd.s32 $0xF, v20;
	s9 =	sadd.s32 $0x10, s9;
	v30 =	vor.u32 v30, v31;
	s13 =	smov.u32 s10;
	s10 =	sadd.s32 $0x10, s10  }
0x135: {  	v37 =	vadd.s32 $0x3, v20;
	v38 =	vadd.s32 $0x10, v20;
	v31 =	vld [tilespmem:s9+$0x0];
	v39 =	vor.u32 $0x80, v30  }
0x136: {  	v41 =	vadd.s32 $0xB, v20;
	v42 =	vadd.s32 $0x6, v20;
	v43 =	vsub.f32 v13, v5;
	v40 =	vld.idx.msk [tilespmem:v20+s6+$0x0], $0xffff  }
0x137: {  	v25 =	vcvt.s32.f32 v25;
	v44 =	vadd.s32 $0x7, v20;
	v45 =	vor.u32 $0x200, v30;
	v32 =	vld.idx.msk [tilespmem:v32+s6+$0x0], $0xffff  }
0x138: {  	v46 =	vadd.s32 $0x11, v20;
	v47 =	vadd.s32 $0x8, v20;
	v48 =	vor.u32 $0x180, v30;
	v33 =	vld.idx.msk [tilespmem:v33+s6+$0x0], $0xffff  }
0x139: {  	v49 =	vadd.s32 $0x12, v20;
	v50 =	vadd.s32 $0x9, v20;
	v22 =	vsub.f32 v22, v2;
	v29 =	vld.idx.msk [tilespmem:v29+s6+$0x0], $0xffff  }
0x13a: {  	v51 =	vadd.s32 $0x13, v20;
	v24 =	vsub.f32 v24, v6;
	v28 =	vadd.f32 v28, v10;
	v37 =	vld.idx.msk [tilespmem:v37+s6+$0x0], $0xffff  }
0x13b: {  	v26 =	vmul.f32 v7, v26;
	v10 =	vsub.f32 v27, v14;
	v20 =	vadd.s32 $0xE, v20;
	v13 =	vld.idx.msk [tilespmem:v38+s6+$0x0], $0xffff  }
0x13c: {  	v21 =	vmul.f32 v21, v7;
	v24 =	vmul.f32 v24, v7;
	v27 =	vld.idx.msk [tilespmem:v36+s6+$0x0], $0xffff;
	v36 =	vor.u32 $0x100, v30  }
0x13d: {  	v11 =	vadd.f32 v19, v11;
	v19 =	vmul.f32 v43, v7;
	v43 =	vmul.f32 v10, v7;
	v38 =	vld.idx.msk [tilespmem:v44+s6+$0x0], $0xffff  }
0x13e: {  	v22 =	vmul.f32 v22, v7;
	v21 =	vadd.f32 v21, v12;
	v12 =	vmul.f32 v23, v7;
	v10 =	vld.idx.msk [tilespmem:v35+s6+$0x0], $0xffff  }
0x13f: {  	v16 =	vor.u32 $0x380, v16;
	v26 =	vadd.f32 v26, v3;
	v23 =	vadd.f32 $-1.000000000e+00, v34;
	v3 =	vmovc v40;
	v34 =	vld.idx.msk [tilespmem:v51+s6+$0x0], $0xffff  }
0x140: {  	v22 =	vadd.f32 v22, v2;
	v14 =	vadd.f32 v43, v14;
	v40 =	vor.u32 $0x300, v30;
	v2 =	vmovc v32;
	v35 =	vld.idx.msk [tilespmem:v50+s6+$0x0], $0xffff  }
0x141: {  	v23 =	vmul.f32 $9.980000300e+01, v23;
	v43 =	vld.idx.msk [tilespmem:v17+s6+$0x0], $0xffff;
	v17 =	vadd.f32 v12, v9;
	[tilespmem:v30+s31+$0x0] =	vst.idx.msk $0xffff, v26;
	v26 =	vor.u32 $0x280, v30  }
0x142: {  	v24 =	vadd.f32 v24, v6;
	v32 =	vmul.u32 $0x1388, v31;
	v6 =	vld.idx.msk [tilespmem:v18+s6+$0x0], $0xffff;
	[tilespmem:v39+s31+$0x0] =	vst.idx.msk $0xffff, v22;
	v18 =	vor.u32 $0x2000, v30  }
0x143: {  	v9 =	vtrunc.f32 v23;
	v39 =	vsub.f32 v8, v25;
	v12 =	vld.idx.msk [tilespmem:v15+s6+$0x0], $0xffff;
	[tilespmem:v36+s31+$0x0] =	vst.idx.msk $0xffff, v21;
	v15 =	vor.u32 $0x2080, v30  }
0x144: {  	v8 =	vcvt.f32.s32 v9;
	v21 =	vsub.f32 v33, v37;
	v36 =	vld.idx.msk [tilespmem:v49+s6+$0x0], $0xffff;
	[tilespmem:v48+s31+$0x0] =	vst.idx.msk $0xffff, v11;
	v11 =	vmov v37  }
0x145: {  	v7 =	vmul.f32 v4, v7;
	v19 =	vadd.f32 v19, v5;
	v22 =	vmov s8;
	v9 =	vld.idx.msk [tilespmem:v47+s6+$0x0], $0xffff;
	[tilespmem:v45+s31+$0x0] =	vst.idx.msk $0xffff, v24  }
0x146: {  	v33 =	vshll.u32 v22, $0x3;
	vm0 =	vlt.s32 v8, $0x1F2;
	v4 =	vsub.f32 v34, v35;
	v5 =	vld.idx.msk [tilespmem:v42+s6+$0x0], $0xffff;
	[tilespmem:v26+s31+$0x0] =	vst.idx.msk $0xffff, v28  }
0x147: {  	v27 =	vsub.f32 v27, v10;
	v25 =	vnsel vm0, $0x1F2, v8;
	v8 =	vor.u32 s8, v0;
	s8 =	smov.u32 s13;
	v22 =	vld.idx.msk [tilespmem:v41+s6+$0x0], $0xffff;
	[tilespmem:v40+s31+$0x0] =	vst.idx.msk $0xffff, v19  }
0x148: {  	v31 =	vand.u32 $0x1C00, v33;
	v26 =	vmul.u32 $0xA, v25;
	v30 =	vand.u32 $0x7F, v8;
	v24 =	vld.idx.msk [tilespmem:v20+s6+$0x0], $0xffff;
	[tilespmem:v16+s31+$0x0] =	vst.idx.msk $0xffff, v14;
	v14 =	vmovc v38  }
.Ltmp9:
0x149: {  	v28 =	vadd.f32 v7, v1;
	v1 =	vmovc v35;
	v19 =	vmul.f32 v21, v39;
	v16 =	vor.u32 v30, v33;
	(pc) =	sbr.rel @p1 .LBB2_11-.Ltmp9, $4  }
0x14a: {  	v20 =	vadd.s32 v32, v26;
	v21 =	vsub.f32 v29, v12;
	v8 =	vmov v23;
	[tilespmem:v18+s31+$0x0] =	vst.idx.msk $0xffff, v17  }
0x14b: {  	v7 =	vmovc v39;
	v26 =	vsub.f32 v43, v3;
	v32 =	vor.u32 $0x1, v20;
	v17 =	vadd.s32 $0xA, v20;
	[tilespmem:v15+s31+$0x0] =	vst.idx.msk $0xffff, v28  }
0x14c: {  	v29 =	vadd.s32 $0xC, v20;
	v15 =	vadd.s32 $0x2, v20;
	v28 =	vmul.f32 v27, v7;
	v27 =	vld.idx.msk [tilespmem:v46+s6+$0x0], $0xffff  }
0x14d: {  	s11 =	sadd.s32 $0x10, s11;
	v33 =	vadd.s32 $0xD, v20;
	v18 =	vadd.s32 $0x4, v20;
	v23 =	vsub.f32 v36, v9  }
.Ltmp10:
0x14e: {  	_ = 	snop;
	(pc) =	sbr.rel .LBB2_12-.Ltmp10, $1  }
0x14f: {  	_ =	sdelay $0x3  }
.LBB2_15:
0x150: {  	_ =	sfence.sel $0x180000  }
0x151: {  	[bflag:$0x0] =	sbarrier.arrive $0xFFFF  }
0x152: {  	_ =	strace $0x90000047  }
0x153: {  	s0 =	stileid.u32;
	[bflag:$0x2] =	sbarrier.arrive $0xFFFF  }
0x154: {  	p0 =	sne.s32 s0, $0x0;
	s0 =	rddreg [dreg:$0x6]  }
0x155: {  	s0 =	sadd.s32 @!p0 $0x100000, s0  }
0x156: {  	[sflag:s0] =	ssyncadd.tile.s32 @!p0 $0x1;
	_ =	shalt  }
.Lfunc_end2:
_tile_overlayer_lowered:
.L_overlay_start_2:
0x157: {  	(tag) =	ssettag $0x2  }
0x158: {  	s0 =	rddreg [dreg:$0x0];
	s2 =	stileid.u32  }
0x159: {  	s1 =	rddreg [dreg:$0x1];
	p0 =	sne.s32 s2, $0x0  }
0x15a: {  	s3 =	rddreg [dreg:$0x2];
	[bflag:$0x3] =	sbarrier.arrive $0xFFFF;
	s2 =	simm.s32 @!p0 $0x1C07  }
0x15b: {  	[timem:s3], [sflag:s2] =	dma.local @!p0 [hbm:s0], s1  }
0x15c: {  	s0 =	simm.s32 @!p0 $0x7  }
0x15d: {  	_ =	swait.ge @!p0 [sflag:s0], s1  }
0x15e: {  	s1 =	ssub.s32 @!p0 $0x0, s1;
	[sflag:s0] =	ssyncset.done @!p0 $0x0  }
0x15f: {  	[sflag:s0] =	ssyncadd.s32 @!p0 s1  }
0x160: {  	[bflag:$0x3] =	sbarrier.arrive $0xFFFF  }
0x161: {  	_ =	shalt  }

</sc_bundles>
